<compile_context>
chip_gen: v7x
topology: tpu7x:2x2x1
jax: 0.10.2.dev20260603
libtpu: 0.0.44.dev20260713+nightly
codegen_flags: <defaults>
</compile_context>

<pallas_src>
import jax
import jax.numpy as jnp
from jax import lax
from jax.experimental import pallas as pl
from jax.experimental.pallas import tpu as pltpu
from jax.experimental.pallas import tpu_sc as plsc

_N = 200000
_D = 256
_B = 32
_NC = 2
_NS = 16
_NW = _NC * _NS
_C = 64
_CD = _C * _D
_QUOTA = 6272
_LAST = _N - (_NW - 1) * _QUOTA
_FULLCH = _QUOTA // _C
_LASTCH = _LAST // _C


def _softmax_body(v_ref, o_ref):
    v = v_ref[...]
    v = v - jnp.max(v, axis=1, keepdims=True)
    e = jnp.exp(v)
    o_ref[...] = e / jnp.sum(e, axis=1, keepdims=True)


def _tc_softmax_tiled(vecter):
    return pl.pallas_call(
        _softmax_body,
        grid=(_NW,),
        in_specs=[pl.BlockSpec((_B, _D), lambda i: (0, 0))],
        out_specs=pl.BlockSpec((_B, _D), lambda i: (i, 0)),
        out_shape=jax.ShapeDtypeStruct((_NW * _B, _D), jnp.float32),
    )(vecter)


def _sc_body(feat_hbm, idx_hbm, vsm_hbm, out_hbm,
             idx_v, feat_v, rows_v, out_v, isem, fsem,
             gsem0, gsem1, gsem2, wsem):
    cid = lax.axis_index("c")
    sid = lax.axis_index("s")
    wid = sid * _NC + cid
    nchunks = jnp.where(wid < _NW - 1, _FULLCH, _LASTCH)
    start = wid * _QUOTA

    @pl.when(wid < _NW - 1)
    def _():
        pltpu.async_copy(idx_hbm.at[pl.ds(start, _QUOTA)], idx_v, isem)
        pltpu.make_async_copy(idx_hbm.at[pl.ds(0, _QUOTA)], idx_v, isem).wait()

    @pl.when(wid == _NW - 1)
    def _():
        pltpu.async_copy(idx_hbm.at[pl.ds(start, _LAST)],
                         idx_v.at[pl.ds(0, _LAST)], isem)
        pltpu.make_async_copy(idx_hbm.at[pl.ds(0, _LAST)],
                              idx_v.at[pl.ds(0, _LAST)], isem).wait()

    woff = wid * _B

    @plsc.parallel_loop(0, _QUOTA // 16, unroll=4)
    def _adj(t):
        idx_v[pl.ds(t * 16, 16)] = idx_v[pl.ds(t * 16, 16)] + woff

    def fissue(k, buf):
        base = start + k * _C
        pltpu.async_copy(feat_hbm.at[pl.ds(base * _D, _CD)],
                         feat_v.at[pl.ds(buf * _CD, _CD)], fsem)

    def gissue(k, slot, sem):
        pltpu.async_copy(vsm_hbm.at[idx_v.at[pl.ds(k * _C, _C)]],
                         rows_v.at[slot], sem)

    def gwait(slot, sem):
        pltpu.make_async_copy(vsm_hbm.at[idx_v.at[pl.ds(0, _C)]],
                              rows_v.at[slot], sem).wait()

    gissue(0, 0, gsem0)
    gissue(1, 1, gsem1)
    fissue(0, 0)

    def chunk_body(k, _):
        b = lax.rem(k, 2)
        nb = 1 - b
        g = lax.rem(k, 3)

        @pl.when(k + 2 < nchunks)
        def _():
            slot = lax.rem(k + 2, 3)

            @pl.when(slot == 0)
            def _():
                gissue(k + 2, 0, gsem0)

            @pl.when(slot == 1)
            def _():
                gissue(k + 2, 1, gsem1)

            @pl.when(slot == 2)
            def _():
                gissue(k + 2, 2, gsem2)

        @pl.when(k + 1 < nchunks)
        def _():
            fissue(k + 1, nb)

        pltpu.make_async_copy(feat_hbm.at[pl.ds(0, _CD)],
                              feat_v.at[pl.ds(b * _CD, _CD)], fsem).wait()

        @pl.when(g == 0)
        def _():
            gwait(0, gsem0)

        @pl.when(g == 1)
        def _():
            gwait(1, gsem1)

        @pl.when(g == 2)
        def _():
            gwait(2, gsem2)

        @pl.when(k >= 2)
        def _():
            pltpu.make_async_copy(out_v.at[pl.ds(b * _CD, _CD)],
                                  out_hbm.at[pl.ds(0, _CD)], wsem).wait()

        cbase = b * _CD

        @plsc.parallel_loop(0, _C, unroll=2)
        def _row(r):
            rbase = cbase + r * _D
            for j in range(_D // 16):
                a = feat_v[pl.ds(rbase + j * 16, 16)]
                t = rows_v[g, r, pl.ds(j * 16, 16)]
                out_v[pl.ds(rbase + j * 16, 16)] = a * t

        base = start + k * _C
        pltpu.async_copy(out_v.at[pl.ds(cbase, _CD)],
                         out_hbm.at[pl.ds(base * _D, _CD)], wsem)
        return 0

    lax.fori_loop(0, nchunks, chunk_body, 0)
    pltpu.make_async_copy(out_v.at[pl.ds(0, _CD)],
                          out_hbm.at[pl.ds(0, _CD)], wsem).wait()
    pltpu.make_async_copy(out_v.at[pl.ds(_CD, _CD)],
                          out_hbm.at[pl.ds(0, _CD)], wsem).wait()


def kernel(features, point_idx, vecter):
    vsm_rep = _tc_softmax_tiled(vecter)
    feat_flat = features.reshape(_N * _D)
    idx = point_idx.astype(jnp.int32)

    mesh = plsc.VectorSubcoreMesh(core_axis_name="c", subcore_axis_name="s")
    out_flat = pl.kernel(
        _sc_body,
        out_type=jax.ShapeDtypeStruct((_N * _D,), jnp.float32),
        mesh=mesh,
        scratch_types=[
            pltpu.VMEM((_QUOTA,), jnp.int32),
            pltpu.VMEM((2 * _CD,), jnp.float32),
            pltpu.VMEM((3, _C, _D), jnp.float32),
            pltpu.VMEM((2 * _CD,), jnp.float32),
            pltpu.SemaphoreType.DMA,
            pltpu.SemaphoreType.DMA,
            pltpu.SemaphoreType.DMA,
            pltpu.SemaphoreType.DMA,
            pltpu.SemaphoreType.DMA,
            pltpu.SemaphoreType.DMA,
        ],
    )(feat_flat, idx, vsm_rep)
    return out_flat.reshape(_N, _D)

# --- scband reference (transcript-rebuilt; emitter-appended) ---
"""Pipeline reference for scband-global-mask-layer-v3-73461120631374 (READ-ONLY COPY).

The authoritative reference and input builder live on the scoring server;
editing this copy changes nothing except your own understanding.
"""

import jax, jax.numpy as jnp
import numpy as np

N = 200000
D = 256
B = 32


def setup_inputs(seed: int = 0) -> dict:
    key = jax.random.key(seed)
    k1, k2, k3 = jax.random.split(key, 3)
    features = jax.random.normal(k1, (N, D), dtype=jnp.float32)
    point_idx = jax.random.randint(k2, (N,), 0, B, dtype=jnp.int64 if jax.config.jax_enable_x64 else jnp.int32)
    vecter = jax.random.normal(k3, (B, D), dtype=jnp.float32)
    return {"features": features, "point_idx": point_idx, "vecter": vecter}


def reference(features, point_idx, vecter):
    # GlobalMaskLayer_v3.forward:
    #   vecter = softmax(vecter, dim=1)
    #   output.features = input.features * vecter[point_idx]
    assert features.shape[-1] == vecter.shape[-1]
    v = jax.nn.softmax(vecter, axis=1)
    gathered = jnp.take(v, point_idx, axis=0)  # gather per-point batch mask
    return features * gathered

if __name__ == "__main__":
    import jax
    _d = setup_inputs()
    print(jax.jit(kernel)(*tuple(_d.values())))

</pallas_src>

<mosaic_0001>
#map = affine_map<(d0, d1) -> (0)>
#map1 = affine_map<(d0, d1) -> (0, 0)>
module attributes {stable_mosaic.version = 14 : i64} {
  func.func @_sc_body(%arg0: i32, %arg1: i32, %arg2: memref<51200000xf32, #tpu.memory_space<hbm>>, %arg3: memref<200000xi32, #tpu.memory_space<hbm>>, %arg4: memref<1024x256xf32, #tpu.memory_space<hbm>>, %arg5: memref<51200000xf32, #tpu.memory_space<hbm>>, %arg6: memref<6272xi32, #tpu.memory_space<vmem>>, %arg7: memref<32768xf32, #tpu.memory_space<vmem>>, %arg8: memref<3x64x256xf32, #tpu.memory_space<vmem>>, %arg9: memref<32768xf32, #tpu.memory_space<vmem>>, %arg10: memref<!tpu.dma_semaphore, #tpu.memory_space<semaphore_mem>>, %arg11: memref<!tpu.dma_semaphore, #tpu.memory_space<semaphore_mem>>, %arg12: memref<!tpu.dma_semaphore, #tpu.memory_space<semaphore_mem>>, %arg13: memref<!tpu.dma_semaphore, #tpu.memory_space<semaphore_mem>>, %arg14: memref<!tpu.dma_semaphore, #tpu.memory_space<semaphore_mem>>, %arg15: memref<!tpu.dma_semaphore, #tpu.memory_space<semaphore_mem>>) attributes {dimension_semantics = [#tpu.dimension_semantics<core_parallel>, #tpu.dimension_semantics<subcore_parallel>], iteration_bounds = array<i64: 2, 16>, scalar_prefetch = 0 : i64, scratch_operands = 10 : i64, tpu.core_type = #tpu.core_type<sc_vector_subcore>, window_params = [{transform_indices = #map}, {transform_indices = #map}, {transform_indices = #map1}, {transform_indices = #map}]} {
    %mul3A = arith.constant 2 : i32
    %mul3A_0 = arith.muli %arg1, %mul3A : i32
    %add3A = arith.addi %mul3A_0, %arg0 : i32
    %lt3A = arith.constant 31 : i32
    %lt3A_1 = arith.cmpi slt, %add3A, %lt3A : i32
    %jit3A = arith.constant 98 : i32
    %jit3A_2 = arith.constant 87 : i32
    %select_n3A = arith.select %lt3A_1, %jit3A, %jit3A_2 : i32
    %mul3A_3 = arith.constant 6272 : i32
    %mul3A_4 = arith.muli %add3A, %mul3A_3 : i32
    %lt3A_5 = arith.constant 31 : i32
    %lt3A_6 = arith.cmpi slt, %add3A, %lt3A_5 : i32
    %convert_element_type3A = arith.extui %lt3A_6 : i1 to i32
    %cond3A = arith.constant 0 : i32
    %cond3A_7 = arith.cmpi ne, %convert_element_type3A, %cond3A : i32
    scf.if %cond3A_7 {
      %dma_start3A_71 = tpu.memref_slice %arg3[%mul3A_4] : memref<200000xi32, #tpu.memory_space<hbm>> -> memref<6272xi32, #tpu.memory_space<hbm>>
      %dma_start3A_72 = tpu.memref_slice %arg3[%mul3A_4] : memref<200000xi32, #tpu.memory_space<hbm>> -> memref<6272xi32, #tpu.memory_space<hbm>>
      tpu.enqueue_dma source(%dma_start3A_72 : memref<6272xi32, #tpu.memory_space<hbm>>) target(%arg6 : memref<6272xi32, #tpu.memory_space<vmem>>) target_semaphore(%arg10 : memref<!tpu.dma_semaphore, #tpu.memory_space<semaphore_mem>>)
      %dma_wait3A_73 = arith.constant 0 : i32
      %dma_wait3A_74 = tpu.memref_slice %arg3[%dma_wait3A_73] : memref<200000xi32, #tpu.memory_space<hbm>> -> memref<6272xi32, #tpu.memory_space<hbm>>
      %dma_wait3A_75 = arith.constant 0 : i32
      %dma_wait3A_76 = tpu.memref_slice %arg3[%dma_wait3A_75] : memref<200000xi32, #tpu.memory_space<hbm>> -> memref<6272xi32, #tpu.memory_space<hbm>>
      tpu.wait_dma2 semaphore(%arg10 : memref<!tpu.dma_semaphore, #tpu.memory_space<semaphore_mem>>) src(%dma_wait3A_76 : memref<6272xi32, #tpu.memory_space<hbm>>) dst(%arg6 : memref<6272xi32, #tpu.memory_space<vmem>>)
    } else {
    }
    %eq3A = arith.constant 31 : i32
    %eq3A_8 = arith.cmpi eq, %add3A, %eq3A : i32
    %convert_element_type3A_9 = arith.extui %eq3A_8 : i1 to i32
    %cond3A_10 = arith.constant 0 : i32
    %cond3A_11 = arith.cmpi ne, %convert_element_type3A_9, %cond3A_10 : i32
    scf.if %cond3A_11 {
      %dma_start3A_71 = arith.constant 0 : i32
      %dma_start3A_72 = tpu.memref_slice %arg6[%dma_start3A_71] : memref<6272xi32, #tpu.memory_space<vmem>> -> memref<5568xi32, #tpu.memory_space<vmem>>
      %dma_start3A_73 = tpu.memref_slice %arg3[%mul3A_4] : memref<200000xi32, #tpu.memory_space<hbm>> -> memref<5568xi32, #tpu.memory_space<hbm>>
      %dma_start3A_74 = arith.constant 0 : i32
      %dma_start3A_75 = tpu.memref_slice %arg6[%dma_start3A_74] : memref<6272xi32, #tpu.memory_space<vmem>> -> memref<5568xi32, #tpu.memory_space<vmem>>
      %dma_start3A_76 = tpu.memref_slice %arg3[%mul3A_4] : memref<200000xi32, #tpu.memory_space<hbm>> -> memref<5568xi32, #tpu.memory_space<hbm>>
      tpu.enqueue_dma source(%dma_start3A_76 : memref<5568xi32, #tpu.memory_space<hbm>>) target(%dma_start3A_75 : memref<5568xi32, #tpu.memory_space<vmem>>) target_semaphore(%arg10 : memref<!tpu.dma_semaphore, #tpu.memory_space<semaphore_mem>>)
      %dma_wait3A_77 = arith.constant 0 : i32
      %dma_wait3A_78 = tpu.memref_slice %arg6[%dma_wait3A_77] : memref<6272xi32, #tpu.memory_space<vmem>> -> memref<5568xi32, #tpu.memory_space<vmem>>
      %dma_wait3A_79 = arith.constant 0 : i32
      %dma_wait3A_80 = tpu.memref_slice %arg3[%dma_wait3A_79] : memref<200000xi32, #tpu.memory_space<hbm>> -> memref<5568xi32, #tpu.memory_space<hbm>>
      %dma_wait3A_81 = arith.constant 0 : i32
      %dma_wait3A_82 = tpu.memref_slice %arg6[%dma_wait3A_81] : memref<6272xi32, #tpu.memory_space<vmem>> -> memref<5568xi32, #tpu.memory_space<vmem>>
      %dma_wait3A_83 = arith.constant 0 : i32
      %dma_wait3A_84 = tpu.memref_slice %arg3[%dma_wait3A_83] : memref<200000xi32, #tpu.memory_space<hbm>> -> memref<5568xi32, #tpu.memory_space<hbm>>
      tpu.wait_dma2 semaphore(%arg10 : memref<!tpu.dma_semaphore, #tpu.memory_space<semaphore_mem>>) src(%dma_wait3A_84 : memref<5568xi32, #tpu.memory_space<hbm>>) dst(%dma_wait3A_82 : memref<5568xi32, #tpu.memory_space<vmem>>)
    } else {
    }
    %mul3A_12 = arith.constant 32 : i32
    %mul3A_13 = arith.muli %add3A, %mul3A_12 : i32
    %parallel_loop3A = arith.constant 0 : i32
    %parallel_loop3A_14 = arith.constant 392 : i32
    %parallel_loop3A_15 = arith.constant 1 : i32
    scf.for %parallel_loop3A_71 = %parallel_loop3A to %parallel_loop3A_14 step %parallel_loop3A_15  : i32 {
      %parallel_loop3A_72 = arith.constant 16 : i32
      %parallel_loop3A_73 = arith.muli %parallel_loop3A_71, %parallel_loop3A_72 : i32
      %parallel_loop3A_74 = arith.index_cast %parallel_loop3A_73 : i32 to index
      %parallel_loop3A_75 = tpu.vector_load %arg6[%parallel_loop3A_74] {strides = array<i32>} : memref<6272xi32, #tpu.memory_space<vmem>>, vector<16xi32>,
      %parallel_loop3A_76 = vector.shape_cast %parallel_loop3A_75 : vector<16xi32> to vector<16xi32>
      %parallel_loop3A_77 = vector.broadcast %mul3A_13 : i32 to vector<16xi32>
      %parallel_loop3A_78 = arith.addi %parallel_loop3A_76, %parallel_loop3A_77 : vector<16xi32>
      %parallel_loop3A_79 = arith.constant 16 : i32
      %parallel_loop3A_80 = arith.muli %parallel_loop3A_71, %parallel_loop3A_79 : i32
      %parallel_loop3A_81 = arith.index_cast %parallel_loop3A_80 : i32 to index
      %parallel_loop3A_82 = tpu.vector_load %arg6[%parallel_loop3A_81] {strides = array<i32>} : memref<6272xi32, #tpu.memory_space<vmem>>, vector<16xi32>,
      %parallel_loop3A_83 = vector.shape_cast %parallel_loop3A_82 : vector<16xi32> to vector<16xi32>
      %parallel_loop3A_84 = vector.shape_cast %parallel_loop3A_78 : vector<16xi32> to vector<16xi32>
      tpu.vector_store %arg6[%parallel_loop3A_81], %parallel_loop3A_84 {strides = array<i32>} : memref<6272xi32, #tpu.memory_space<vmem>>, vector<16xi32>,
    } {sc.loop_unroll_factor = 4 : i64, sc.parallel_access}
    %dma_start3A = arith.constant 0 : i32
    %dma_start3A_16 = arith.constant 0 : i32
    %dma_start3A_17 = arith.constant 0 : i32
    %dma_start3A_18 = tpu.memref_slice %arg8[%dma_start3A, %dma_start3A_16, %dma_start3A_17] : memref<3x64x256xf32, #tpu.memory_space<vmem>> -> memref<1x64x256xf32, #tpu.memory_space<vmem>>
    %dma_start3A_19 = tpu.memref_squeeze %dma_start3A_18 : memref<1x64x256xf32, #tpu.memory_space<vmem>> -> memref<64x256xf32, #tpu.memory_space<vmem>>
    %dma_start3A_20 = arith.constant 0 : i32
    %dma_start3A_21 = tpu.memref_slice %arg6[%dma_start3A_20] : memref<6272xi32, #tpu.memory_space<vmem>> -> memref<64xi32, #tpu.memory_space<vmem>>
    %dma_start3A_22 = arith.constant 0 : i32
    %dma_start3A_23 = arith.constant 0 : i32
    %dma_start3A_24 = tpu.memref_slice %arg4[%dma_start3A_22, %dma_start3A_23] : memref<1024x256xf32, #tpu.memory_space<hbm>> -> memref<1024x256xf32, #tpu.memory_space<hbm>>
    tpu.enqueue_indirect_dma source(%dma_start3A_24 : memref<1024x256xf32, #tpu.memory_space<hbm>>) target(%dma_start3A_19 : memref<64x256xf32, #tpu.memory_space<vmem>>) offsets(%dma_start3A_21 : memref<64xi32, #tpu.memory_space<vmem>>) semaphore(%arg12 : memref<!tpu.dma_semaphore, #tpu.memory_space<semaphore_mem>>)
    %dma_start3A_25 = arith.constant 1 : i32
    %dma_start3A_26 = arith.constant 0 : i32
    %dma_start3A_27 = arith.constant 0 : i32
    %dma_start3A_28 = tpu.memref_slice %arg8[%dma_start3A_25, %dma_start3A_26, %dma_start3A_27] : memref<3x64x256xf32, #tpu.memory_space<vmem>> -> memref<1x64x256xf32, #tpu.memory_space<vmem>>
    %dma_start3A_29 = tpu.memref_squeeze %dma_start3A_28 : memref<1x64x256xf32, #tpu.memory_space<vmem>> -> memref<64x256xf32, #tpu.memory_space<vmem>>
    %dma_start3A_30 = arith.constant 64 : i32
    %dma_start3A_31 = tpu.memref_slice %arg6[%dma_start3A_30] : memref<6272xi32, #tpu.memory_space<vmem>> -> memref<64xi32, #tpu.memory_space<vmem>>
    %dma_start3A_32 = arith.constant 0 : i32
    %dma_start3A_33 = arith.constant 0 : i32
    %dma_start3A_34 = tpu.memref_slice %arg4[%dma_start3A_32, %dma_start3A_33] : memref<1024x256xf32, #tpu.memory_space<hbm>> -> memref<1024x256xf32, #tpu.memory_space<hbm>>
    tpu.enqueue_indirect_dma source(%dma_start3A_34 : memref<1024x256xf32, #tpu.memory_space<hbm>>) target(%dma_start3A_29 : memref<64x256xf32, #tpu.memory_space<vmem>>) offsets(%dma_start3A_31 : memref<64xi32, #tpu.memory_space<vmem>>) semaphore(%arg13 : memref<!tpu.dma_semaphore, #tpu.memory_space<semaphore_mem>>)
    %add3A_35 = arith.constant 0 : i32
    %add3A_36 = arith.addi %mul3A_4, %add3A_35 : i32
    %mul3A_37 = arith.constant 256 : i32
    %mul3A_38 = arith.muli %add3A_36, %mul3A_37 : i32
    %dma_start3A_39 = arith.constant 0 : i32
    %dma_start3A_40 = tpu.memref_slice %arg7[%dma_start3A_39] : memref<32768xf32, #tpu.memory_space<vmem>> -> memref<16384xf32, #tpu.memory_space<vmem>>
    %dma_start3A_41 = tpu.memref_slice %arg2[%mul3A_38] : memref<51200000xf32, #tpu.memory_space<hbm>> -> memref<16384xf32, #tpu.memory_space<hbm>>
    %dma_start3A_42 = arith.constant 0 : i32
    %dma_start3A_43 = tpu.memref_slice %arg7[%dma_start3A_42] : memref<32768xf32, #tpu.memory_space<vmem>> -> memref<16384xf32, #tpu.memory_space<vmem>>
    %dma_start3A_44 = tpu.memref_slice %arg2[%mul3A_38] : memref<51200000xf32, #tpu.memory_space<hbm>> -> memref<16384xf32, #tpu.memory_space<hbm>>
    tpu.enqueue_dma source(%dma_start3A_44 : memref<16384xf32, #tpu.memory_space<hbm>>) target(%dma_start3A_43 : memref<16384xf32, #tpu.memory_space<vmem>>) target_semaphore(%arg11 : memref<!tpu.dma_semaphore, #tpu.memory_space<semaphore_mem>>)
    %while3A = arith.constant 0 : i32
    %while3A_45 = arith.constant 0 : i32
    %while3A_46 = arith.subi %select_n3A, %while3A : i32
    %while3A_47 = arith.addi %while3A, %while3A_46 : i32
    %while3A_48 = arith.constant 1 : i32
    %while3A_49 = arith.divsi %while3A_46, %while3A_48 : i32
    %while3A_50 = arith.muli %while3A_49, %while3A_48 : i32
    %while3A_51 = arith.addi %while3A, %while3A_50 : i32
    %while3A_52 = arith.constant 1 : i32
    %while3A_53 = scf.for %while3A_71 = %while3A to %while3A_51 step %while3A_52 iter_args(%while3A_72 = %while3A_45) -> (i32)  : i32 {
      %rem3A = arith.constant 2 : i32
      %rem3A_73 = arith.remsi %while3A_71, %rem3A : i32
      %sub3A = arith.constant 1 : i32
      %sub3A_74 = arith.subi %sub3A, %rem3A_73 : i32
      %rem3A_75 = arith.constant 3 : i32
      %rem3A_76 = arith.remsi %while3A_71, %rem3A_75 : i32
      %add3A_77 = arith.constant 2 : i32
      %add3A_78 = arith.addi %while3A_71, %add3A_77 : i32
      %lt3A_79 = arith.cmpi slt, %add3A_78, %select_n3A : i32
      %convert_element_type3A_80 = arith.extui %lt3A_79 : i1 to i32
      %cond3A_81 = arith.constant 0 : i32
      %cond3A_82 = arith.cmpi ne, %convert_element_type3A_80, %cond3A_81 : i32
      scf.if %cond3A_82 {
        %add3A_131 = arith.constant 2 : i32
        %add3A_132 = arith.addi %while3A_71, %add3A_131 : i32
        %rem3A_133 = arith.constant 3 : i32
        %rem3A_134 = arith.remsi %add3A_132, %rem3A_133 : i32
        %eq3A_135 = arith.constant 0 : i32
        %eq3A_136 = arith.cmpi eq, %rem3A_134, %eq3A_135 : i32
        %convert_element_type3A_137 = arith.extui %eq3A_136 : i1 to i32
        %cond3A_138 = arith.constant 0 : i32
        %cond3A_139 = arith.cmpi ne, %convert_element_type3A_137, %cond3A_138 : i32
        scf.if %cond3A_139 {
          %add3A_150 = arith.constant 2 : i32
          %add3A_151 = arith.addi %while3A_71, %add3A_150 : i32
          %mul3A_152 = arith.constant 64 : i32
          %mul3A_153 = arith.muli %add3A_151, %mul3A_152 : i32
          %dma_start3A_154 = arith.constant 0 : i32
          %dma_start3A_155 = arith.constant 0 : i32
          %dma_start3A_156 = arith.constant 0 : i32
          %dma_start3A_157 = tpu.memref_slice %arg8[%dma_start3A_154, %dma_start3A_155, %dma_start3A_156] : memref<3x64x256xf32, #tpu.memory_space<vmem>> -> memref<1x64x256xf32, #tpu.memory_space<vmem>>
          %dma_start3A_158 = tpu.memref_squeeze %dma_start3A_157 : memref<1x64x256xf32, #tpu.memory_space<vmem>> -> memref<64x256xf32, #tpu.memory_space<vmem>>
          %dma_start3A_159 = tpu.memref_slice %arg6[%mul3A_153] : memref<6272xi32, #tpu.memory_space<vmem>> -> memref<64xi32, #tpu.memory_space<vmem>>
          %dma_start3A_160 = arith.constant 0 : i32
          %dma_start3A_161 = arith.constant 0 : i32
          %dma_start3A_162 = tpu.memref_slice %arg4[%dma_start3A_160, %dma_start3A_161] : memref<1024x256xf32, #tpu.memory_space<hbm>> -> memref<1024x256xf32, #tpu.memory_space<hbm>>
          tpu.enqueue_indirect_dma source(%dma_start3A_162 : memref<1024x256xf32, #tpu.memory_space<hbm>>) target(%dma_start3A_158 : memref<64x256xf32, #tpu.memory_space<vmem>>) offsets(%dma_start3A_159 : memref<64xi32, #tpu.memory_space<vmem>>) semaphore(%arg12 : memref<!tpu.dma_semaphore, #tpu.memory_space<semaphore_mem>>)
        } else {
        }
        %eq3A_140 = arith.constant 1 : i32
        %eq3A_141 = arith.cmpi eq, %rem3A_134, %eq3A_140 : i32
        %convert_element_type3A_142 = arith.extui %eq3A_141 : i1 to i32
        %cond3A_143 = arith.constant 0 : i32
        %cond3A_144 = arith.cmpi ne, %convert_element_type3A_142, %cond3A_143 : i32
        scf.if %cond3A_144 {
          %add3A_150 = arith.constant 2 : i32
          %add3A_151 = arith.addi %while3A_71, %add3A_150 : i32
          %mul3A_152 = arith.constant 64 : i32
          %mul3A_153 = arith.muli %add3A_151, %mul3A_152 : i32
          %dma_start3A_154 = arith.constant 1 : i32
          %dma_start3A_155 = arith.constant 0 : i32
          %dma_start3A_156 = arith.constant 0 : i32
          %dma_start3A_157 = tpu.memref_slice %arg8[%dma_start3A_154, %dma_start3A_155, %dma_start3A_156] : memref<3x64x256xf32, #tpu.memory_space<vmem>> -> memref<1x64x256xf32, #tpu.memory_space<vmem>>
          %dma_start3A_158 = tpu.memref_squeeze %dma_start3A_157 : memref<1x64x256xf32, #tpu.memory_space<vmem>> -> memref<64x256xf32, #tpu.memory_space<vmem>>
          %dma_start3A_159 = tpu.memref_slice %arg6[%mul3A_153] : memref<6272xi32, #tpu.memory_space<vmem>> -> memref<64xi32, #tpu.memory_space<vmem>>
          %dma_start3A_160 = arith.constant 0 : i32
          %dma_start3A_161 = arith.constant 0 : i32
          %dma_start3A_162 = tpu.memref_slice %arg4[%dma_start3A_160, %dma_start3A_161] : memref<1024x256xf32, #tpu.memory_space<hbm>> -> memref<1024x256xf32, #tpu.memory_space<hbm>>
          tpu.enqueue_indirect_dma source(%dma_start3A_162 : memref<1024x256xf32, #tpu.memory_space<hbm>>) target(%dma_start3A_158 : memref<64x256xf32, #tpu.memory_space<vmem>>) offsets(%dma_start3A_159 : memref<64xi32, #tpu.memory_space<vmem>>) semaphore(%arg13 : memref<!tpu.dma_semaphore, #tpu.memory_space<semaphore_mem>>)
        } else {
        }
        %eq3A_145 = arith.constant 2 : i32
        %eq3A_146 = arith.cmpi eq, %rem3A_134, %eq3A_145 : i32
        %convert_element_type3A_147 = arith.extui %eq3A_146 : i1 to i32
        %cond3A_148 = arith.constant 0 : i32
        %cond3A_149 = arith.cmpi ne, %convert_element_type3A_147, %cond3A_148 : i32
        scf.if %cond3A_149 {
          %add3A_150 = arith.constant 2 : i32
          %add3A_151 = arith.addi %while3A_71, %add3A_150 : i32
          %mul3A_152 = arith.constant 64 : i32
          %mul3A_153 = arith.muli %add3A_151, %mul3A_152 : i32
          %dma_start3A_154 = arith.constant 2 : i32
          %dma_start3A_155 = arith.constant 0 : i32
          %dma_start3A_156 = arith.constant 0 : i32
          %dma_start3A_157 = tpu.memref_slice %arg8[%dma_start3A_154, %dma_start3A_155, %dma_start3A_156] : memref<3x64x256xf32, #tpu.memory_space<vmem>> -> memref<1x64x256xf32, #tpu.memory_space<vmem>>
          %dma_start3A_158 = tpu.memref_squeeze %dma_start3A_157 : memref<1x64x256xf32, #tpu.memory_space<vmem>> -> memref<64x256xf32, #tpu.memory_space<vmem>>
          %dma_start3A_159 = tpu.memref_slice %arg6[%mul3A_153] : memref<6272xi32, #tpu.memory_space<vmem>> -> memref<64xi32, #tpu.memory_space<vmem>>
          %dma_start3A_160 = arith.constant 0 : i32
          %dma_start3A_161 = arith.constant 0 : i32
          %dma_start3A_162 = tpu.memref_slice %arg4[%dma_start3A_160, %dma_start3A_161] : memref<1024x256xf32, #tpu.memory_space<hbm>> -> memref<1024x256xf32, #tpu.memory_space<hbm>>
          tpu.enqueue_indirect_dma source(%dma_start3A_162 : memref<1024x256xf32, #tpu.memory_space<hbm>>) target(%dma_start3A_158 : memref<64x256xf32, #tpu.memory_space<vmem>>) offsets(%dma_start3A_159 : memref<64xi32, #tpu.memory_space<vmem>>) semaphore(%arg14 : memref<!tpu.dma_semaphore, #tpu.memory_space<semaphore_mem>>)
        } else {
        }
      } else {
      }
      %add3A_83 = arith.constant 1 : i32
      %add3A_84 = arith.addi %while3A_71, %add3A_83 : i32
      %lt3A_85 = arith.cmpi slt, %add3A_84, %select_n3A : i32
      %convert_element_type3A_86 = arith.extui %lt3A_85 : i1 to i32
      %cond3A_87 = arith.constant 0 : i32
      %cond3A_88 = arith.cmpi ne, %convert_element_type3A_86, %cond3A_87 : i32
      scf.if %cond3A_88 {
        %add3A_131 = arith.constant 1 : i32
        %add3A_132 = arith.addi %while3A_71, %add3A_131 : i32
        %mul3A_133 = arith.constant 64 : i32
        %mul3A_134 = arith.muli %add3A_132, %mul3A_133 : i32
        %add3A_135 = arith.addi %mul3A_4, %mul3A_134 : i32
        %mul3A_136 = arith.constant 256 : i32
        %mul3A_137 = arith.muli %add3A_135, %mul3A_136 : i32
        %mul3A_138 = arith.constant 16384 : i32
        %mul3A_139 = arith.muli %sub3A_74, %mul3A_138 : i32
        %dma_start3A_140 = tpu.memref_slice %arg7[%mul3A_139] : memref<32768xf32, #tpu.memory_space<vmem>> -> memref<16384xf32, #tpu.memory_space<vmem>>
        %dma_start3A_141 = tpu.memref_slice %arg2[%mul3A_137] : memref<51200000xf32, #tpu.memory_space<hbm>> -> memref<16384xf32, #tpu.memory_space<hbm>>
        %dma_start3A_142 = tpu.memref_slice %arg7[%mul3A_139] : memref<32768xf32, #tpu.memory_space<vmem>> -> memref<16384xf32, #tpu.memory_space<vmem>>
        %dma_start3A_143 = tpu.memref_slice %arg2[%mul3A_137] : memref<51200000xf32, #tpu.memory_space<hbm>> -> memref<16384xf32, #tpu.memory_space<hbm>>
        tpu.enqueue_dma source(%dma_start3A_143 : memref<16384xf32, #tpu.memory_space<hbm>>) target(%dma_start3A_142 : memref<16384xf32, #tpu.memory_space<vmem>>) target_semaphore(%arg11 : memref<!tpu.dma_semaphore, #tpu.memory_space<semaphore_mem>>)
      } else {
      }
      %mul3A_89 = arith.constant 16384 : i32
      %mul3A_90 = arith.muli %rem3A_73, %mul3A_89 : i32
      %dma_wait3A_91 = tpu.memref_slice %arg7[%mul3A_90] : memref<32768xf32, #tpu.memory_space<vmem>> -> memref<16384xf32, #tpu.memory_space<vmem>>
      %dma_wait3A_92 = arith.constant 0 : i32
      %dma_wait3A_93 = tpu.memref_slice %arg2[%dma_wait3A_92] : memref<51200000xf32, #tpu.memory_space<hbm>> -> memref<16384xf32, #tpu.memory_space<hbm>>
      %dma_wait3A_94 = tpu.memref_slice %arg7[%mul3A_90] : memref<32768xf32, #tpu.memory_space<vmem>> -> memref<16384xf32, #tpu.memory_space<vmem>>
      %dma_wait3A_95 = arith.constant 0 : i32
      %dma_wait3A_96 = tpu.memref_slice %arg2[%dma_wait3A_95] : memref<51200000xf32, #tpu.memory_space<hbm>> -> memref<16384xf32, #tpu.memory_space<hbm>>
      tpu.wait_dma2 semaphore(%arg11 : memref<!tpu.dma_semaphore, #tpu.memory_space<semaphore_mem>>) src(%dma_wait3A_96 : memref<16384xf32, #tpu.memory_space<hbm>>) dst(%dma_wait3A_94 : memref<16384xf32, #tpu.memory_space<vmem>>)
      %eq3A_97 = arith.constant 0 : i32
      %eq3A_98 = arith.cmpi eq, %rem3A_76, %eq3A_97 : i32
      %convert_element_type3A_99 = arith.extui %eq3A_98 : i1 to i32
      %cond3A_100 = arith.constant 0 : i32
      %cond3A_101 = arith.cmpi ne, %convert_element_type3A_99, %cond3A_100 : i32
      scf.if %cond3A_101 {
        %dma_wait3A_131 = arith.constant 0 : i32
        %dma_wait3A_132 = arith.constant 0 : i32
        %dma_wait3A_133 = arith.constant 0 : i32
        %dma_wait3A_134 = tpu.memref_slice %arg8[%dma_wait3A_131, %dma_wait3A_132, %dma_wait3A_133] : memref<3x64x256xf32, #tpu.memory_space<vmem>> -> memref<1x64x256xf32, #tpu.memory_space<vmem>>
        %dma_wait3A_135 = tpu.memref_squeeze %dma_wait3A_134 : memref<1x64x256xf32, #tpu.memory_space<vmem>> -> memref<64x256xf32, #tpu.memory_space<vmem>>
        %dma_wait3A_136 = arith.constant 0 : i32
        %dma_wait3A_137 = tpu.memref_slice %arg6[%dma_wait3A_136] : memref<6272xi32, #tpu.memory_space<vmem>> -> memref<64xi32, #tpu.memory_space<vmem>>
        %dma_wait3A_138 = arith.constant 0 : i32
        %dma_wait3A_139 = arith.constant 0 : i32
        %dma_wait3A_140 = tpu.memref_slice %arg4[%dma_wait3A_138, %dma_wait3A_139] : memref<1024x256xf32, #tpu.memory_space<hbm>> -> memref<1024x256xf32, #tpu.memory_space<hbm>>
        tpu.wait_indirect_dma semaphore(%arg12 : memref<!tpu.dma_semaphore, #tpu.memory_space<semaphore_mem>>) src(%dma_wait3A_140 : memref<1024x256xf32, #tpu.memory_space<hbm>>) dst(%dma_wait3A_135 : memref<64x256xf32, #tpu.memory_space<vmem>>)
      } else {
      }
      %eq3A_102 = arith.constant 1 : i32
      %eq3A_103 = arith.cmpi eq, %rem3A_76, %eq3A_102 : i32
      %convert_element_type3A_104 = arith.extui %eq3A_103 : i1 to i32
      %cond3A_105 = arith.constant 0 : i32
      %cond3A_106 = arith.cmpi ne, %convert_element_type3A_104, %cond3A_105 : i32
      scf.if %cond3A_106 {
        %dma_wait3A_131 = arith.constant 1 : i32
        %dma_wait3A_132 = arith.constant 0 : i32
        %dma_wait3A_133 = arith.constant 0 : i32
        %dma_wait3A_134 = tpu.memref_slice %arg8[%dma_wait3A_131, %dma_wait3A_132, %dma_wait3A_133] : memref<3x64x256xf32, #tpu.memory_space<vmem>> -> memref<1x64x256xf32, #tpu.memory_space<vmem>>
        %dma_wait3A_135 = tpu.memref_squeeze %dma_wait3A_134 : memref<1x64x256xf32, #tpu.memory_space<vmem>> -> memref<64x256xf32, #tpu.memory_space<vmem>>
        %dma_wait3A_136 = arith.constant 0 : i32
        %dma_wait3A_137 = tpu.memref_slice %arg6[%dma_wait3A_136] : memref<6272xi32, #tpu.memory_space<vmem>> -> memref<64xi32, #tpu.memory_space<vmem>>
        %dma_wait3A_138 = arith.constant 0 : i32
        %dma_wait3A_139 = arith.constant 0 : i32
        %dma_wait3A_140 = tpu.memref_slice %arg4[%dma_wait3A_138, %dma_wait3A_139] : memref<1024x256xf32, #tpu.memory_space<hbm>> -> memref<1024x256xf32, #tpu.memory_space<hbm>>
        tpu.wait_indirect_dma semaphore(%arg13 : memref<!tpu.dma_semaphore, #tpu.memory_space<semaphore_mem>>) src(%dma_wait3A_140 : memref<1024x256xf32, #tpu.memory_space<hbm>>) dst(%dma_wait3A_135 : memref<64x256xf32, #tpu.memory_space<vmem>>)
      } else {
      }
      %eq3A_107 = arith.constant 2 : i32
      %eq3A_108 = arith.cmpi eq, %rem3A_76, %eq3A_107 : i32
      %convert_element_type3A_109 = arith.extui %eq3A_108 : i1 to i32
      %cond3A_110 = arith.constant 0 : i32
      %cond3A_111 = arith.cmpi ne, %convert_element_type3A_109, %cond3A_110 : i32
      scf.if %cond3A_111 {
        %dma_wait3A_131 = arith.constant 2 : i32
        %dma_wait3A_132 = arith.constant 0 : i32
        %dma_wait3A_133 = arith.constant 0 : i32
        %dma_wait3A_134 = tpu.memref_slice %arg8[%dma_wait3A_131, %dma_wait3A_132, %dma_wait3A_133] : memref<3x64x256xf32, #tpu.memory_space<vmem>> -> memref<1x64x256xf32, #tpu.memory_space<vmem>>
        %dma_wait3A_135 = tpu.memref_squeeze %dma_wait3A_134 : memref<1x64x256xf32, #tpu.memory_space<vmem>> -> memref<64x256xf32, #tpu.memory_space<vmem>>
        %dma_wait3A_136 = arith.constant 0 : i32
        %dma_wait3A_137 = tpu.memref_slice %arg6[%dma_wait3A_136] : memref<6272xi32, #tpu.memory_space<vmem>> -> memref<64xi32, #tpu.memory_space<vmem>>
        %dma_wait3A_138 = arith.constant 0 : i32
        %dma_wait3A_139 = arith.constant 0 : i32
        %dma_wait3A_140 = tpu.memref_slice %arg4[%dma_wait3A_138, %dma_wait3A_139] : memref<1024x256xf32, #tpu.memory_space<hbm>> -> memref<1024x256xf32, #tpu.memory_space<hbm>>
        tpu.wait_indirect_dma semaphore(%arg14 : memref<!tpu.dma_semaphore, #tpu.memory_space<semaphore_mem>>) src(%dma_wait3A_140 : memref<1024x256xf32, #tpu.memory_space<hbm>>) dst(%dma_wait3A_135 : memref<64x256xf32, #tpu.memory_space<vmem>>)
      } else {
      }
      %ge3A = arith.constant 2 : i32
      %ge3A_112 = arith.cmpi sge, %while3A_71, %ge3A : i32
      %convert_element_type3A_113 = arith.extui %ge3A_112 : i1 to i32
      %cond3A_114 = arith.constant 0 : i32
      %cond3A_115 = arith.cmpi ne, %convert_element_type3A_113, %cond3A_114 : i32
      scf.if %cond3A_115 {
        %mul3A_131 = arith.constant 16384 : i32
        %mul3A_132 = arith.muli %rem3A_73, %mul3A_131 : i32
        %dma_wait3A_133 = tpu.memref_slice %arg9[%mul3A_132] : memref<32768xf32, #tpu.memory_space<vmem>> -> memref<16384xf32, #tpu.memory_space<vmem>>
        %dma_wait3A_134 = arith.constant 0 : i32
        %dma_wait3A_135 = tpu.memref_slice %arg5[%dma_wait3A_134] : memref<51200000xf32, #tpu.memory_space<hbm>> -> memref<16384xf32, #tpu.memory_space<hbm>>
        %dma_wait3A_136 = arith.constant 0 : i32
        %dma_wait3A_137 = tpu.memref_slice %arg5[%dma_wait3A_136] : memref<51200000xf32, #tpu.memory_space<hbm>> -> memref<16384xf32, #tpu.memory_space<hbm>>
        %dma_wait3A_138 = tpu.memref_slice %arg9[%mul3A_132] : memref<32768xf32, #tpu.memory_space<vmem>> -> memref<16384xf32, #tpu.memory_space<vmem>>
        tpu.wait_dma2 semaphore(%arg15 : memref<!tpu.dma_semaphore, #tpu.memory_space<semaphore_mem>>) src(%dma_wait3A_138 : memref<16384xf32, #tpu.memory_space<vmem>>) dst(%dma_wait3A_137 : memref<16384xf32, #tpu.memory_space<hbm>>)
      } else {
      }
      %mul3A_116 = arith.constant 16384 : i32
      %mul3A_117 = arith.muli %rem3A_73, %mul3A_116 : i32
      %parallel_loop3A_118 = arith.constant 0 : i32
      %parallel_loop3A_119 = arith.constant 64 : i32
      %parallel_loop3A_120 = arith.constant 1 : i32
      scf.for %parallel_loop3A_131 = %parallel_loop3A_118 to %parallel_loop3A_119 step %parallel_loop3A_120  : i32 {
        %parallel_loop3A_132 = arith.constant 256 : i32
        %parallel_loop3A_133 = arith.muli %parallel_loop3A_131, %parallel_loop3A_132 : i32
        %parallel_loop3A_134 = arith.addi %mul3A_117, %parallel_loop3A_133 : i32
        %parallel_loop3A_135 = arith.constant 0 : i32
        %parallel_loop3A_136 = arith.addi %parallel_loop3A_134, %parallel_loop3A_135 : i32
        %parallel_loop3A_137 = arith.index_cast %parallel_loop3A_136 : i32 to index
        %parallel_loop3A_138 = tpu.vector_load %arg7[%parallel_loop3A_137] {strides = array<i32>} : memref<32768xf32, #tpu.memory_space<vmem>>, vector<16xf32>,
        %parallel_loop3A_139 = vector.shape_cast %parallel_loop3A_138 : vector<16xf32> to vector<16xf32>
        %parallel_loop3A_140 = arith.index_cast %rem3A_76 : i32 to index
        %parallel_loop3A_141 = arith.index_cast %parallel_loop3A_131 : i32 to index
        %parallel_loop3A_142 = arith.constant 0 : index
        %parallel_loop3A_143 = tpu.vector_load %arg8[%parallel_loop3A_140, %parallel_loop3A_141, %parallel_loop3A_142] {strides = array<i32>} : memref<3x64x256xf32, #tpu.memory_space<vmem>>, vector<1x1x16xf32>,
        %parallel_loop3A_144 = vector.shape_cast %parallel_loop3A_143 : vector<1x1x16xf32> to vector<16xf32>
        %parallel_loop3A_145 = arith.mulf %parallel_loop3A_139, %parallel_loop3A_144 : vector<16xf32>
        %parallel_loop3A_146 = arith.constant 0 : i32
        %parallel_loop3A_147 = arith.addi %parallel_loop3A_134, %parallel_loop3A_146 : i32
        %parallel_loop3A_148 = arith.index_cast %parallel_loop3A_147 : i32 to index
        %parallel_loop3A_149 = tpu.vector_load %arg9[%parallel_loop3A_148] {strides = array<i32>} : memref<32768xf32, #tpu.memory_space<vmem>>, vector<16xf32>,
        %parallel_loop3A_150 = vector.shape_cast %parallel_loop3A_149 : vector<16xf32> to vector<16xf32>
        %parallel_loop3A_151 = vector.shape_cast %parallel_loop3A_145 : vector<16xf32> to vector<16xf32>
        tpu.vector_store %arg9[%parallel_loop3A_148], %parallel_loop3A_151 {strides = array<i32>} : memref<32768xf32, #tpu.memory_space<vmem>>, vector<16xf32>,
        %parallel_loop3A_152 = arith.constant 16 : i32
        %parallel_loop3A_153 = arith.addi %parallel_loop3A_134, %parallel_loop3A_152 : i32
        %parallel_loop3A_154 = arith.index_cast %parallel_loop3A_153 : i32 to index
        %parallel_loop3A_155 = tpu.vector_load %arg7[%parallel_loop3A_154] {strides = array<i32>} : memref<32768xf32, #tpu.memory_space<vmem>>, vector<16xf32>,
        %parallel_loop3A_156 = vector.shape_cast %parallel_loop3A_155 : vector<16xf32> to vector<16xf32>
        %parallel_loop3A_157 = arith.index_cast %rem3A_76 : i32 to index
        %parallel_loop3A_158 = arith.index_cast %parallel_loop3A_131 : i32 to index
        %parallel_loop3A_159 = arith.constant 16 : index
        %parallel_loop3A_160 = tpu.vector_load %arg8[%parallel_loop3A_157, %parallel_loop3A_158, %parallel_loop3A_159] {strides = array<i32>} : memref<3x64x256xf32, #tpu.memory_space<vmem>>, vector<1x1x16xf32>,
        %parallel_loop3A_161 = vector.shape_cast %parallel_loop3A_160 : vector<1x1x16xf32> to vector<16xf32>
        %parallel_loop3A_162 = arith.mulf %parallel_loop3A_156, %parallel_loop3A_161 : vector<16xf32>
        %parallel_loop3A_163 = arith.constant 16 : i32
        %parallel_loop3A_164 = arith.addi %parallel_loop3A_134, %parallel_loop3A_163 : i32
        %parallel_loop3A_165 = arith.index_cast %parallel_loop3A_164 : i32 to index
        %parallel_loop3A_166 = tpu.vector_load %arg9[%parallel_loop3A_165] {strides = array<i32>} : memref<32768xf32, #tpu.memory_space<vmem>>, vector<16xf32>,
        %parallel_loop3A_167 = vector.shape_cast %parallel_loop3A_166 : vector<16xf32> to vector<16xf32>
        %parallel_loop3A_168 = vector.shape_cast %parallel_loop3A_162 : vector<16xf32> to vector<16xf32>
        tpu.vector_store %arg9[%parallel_loop3A_165], %parallel_loop3A_168 {strides = array<i32>} : memref<32768xf32, #tpu.memory_space<vmem>>, vector<16xf32>,
        %parallel_loop3A_169 = arith.constant 32 : i32
        %parallel_loop3A_170 = arith.addi %parallel_loop3A_134, %parallel_loop3A_169 : i32
        %parallel_loop3A_171 = arith.index_cast %parallel_loop3A_170 : i32 to index
        %parallel_loop3A_172 = tpu.vector_load %arg7[%parallel_loop3A_171] {strides = array<i32>} : memref<32768xf32, #tpu.memory_space<vmem>>, vector<16xf32>,
        %parallel_loop3A_173 = vector.shape_cast %parallel_loop3A_172 : vector<16xf32> to vector<16xf32>
        %parallel_loop3A_174 = arith.index_cast %rem3A_76 : i32 to index
        %parallel_loop3A_175 = arith.index_cast %parallel_loop3A_131 : i32 to index
        %parallel_loop3A_176 = arith.constant 32 : index
        %parallel_loop3A_177 = tpu.vector_load %arg8[%parallel_loop3A_174, %parallel_loop3A_175, %parallel_loop3A_176] {strides = array<i32>} : memref<3x64x256xf32, #tpu.memory_space<vmem>>, vector<1x1x16xf32>,
        %parallel_loop3A_178 = vector.shape_cast %parallel_loop3A_177 : vector<1x1x16xf32> to vector<16xf32>
        %parallel_loop3A_179 = arith.mulf %parallel_loop3A_173, %parallel_loop3A_178 : vector<16xf32>
        %parallel_loop3A_180 = arith.constant 32 : i32
        %parallel_loop3A_181 = arith.addi %parallel_loop3A_134, %parallel_loop3A_180 : i32
        %parallel_loop3A_182 = arith.index_cast %parallel_loop3A_181 : i32 to index
        %parallel_loop3A_183 = tpu.vector_load %arg9[%parallel_loop3A_182] {strides = array<i32>} : memref<32768xf32, #tpu.memory_space<vmem>>, vector<16xf32>,
        %parallel_loop3A_184 = vector.shape_cast %parallel_loop3A_183 : vector<16xf32> to vector<16xf32>
        %parallel_loop3A_185 = vector.shape_cast %parallel_loop3A_179 : vector<16xf32> to vector<16xf32>
        tpu.vector_store %arg9[%parallel_loop3A_182], %parallel_loop3A_185 {strides = array<i32>} : memref<32768xf32, #tpu.memory_space<vmem>>, vector<16xf32>,
        %parallel_loop3A_186 = arith.constant 48 : i32
        %parallel_loop3A_187 = arith.addi %parallel_loop3A_134, %parallel_loop3A_186 : i32
        %parallel_loop3A_188 = arith.index_cast %parallel_loop3A_187 : i32 to index
        %parallel_loop3A_189 = tpu.vector_load %arg7[%parallel_loop3A_188] {strides = array<i32>} : memref<32768xf32, #tpu.memory_space<vmem>>, vector<16xf32>,
        %parallel_loop3A_190 = vector.shape_cast %parallel_loop3A_189 : vector<16xf32> to vector<16xf32>
        %parallel_loop3A_191 = arith.index_cast %rem3A_76 : i32 to index
        %parallel_loop3A_192 = arith.index_cast %parallel_loop3A_131 : i32 to index
        %parallel_loop3A_193 = arith.constant 48 : index
        %parallel_loop3A_194 = tpu.vector_load %arg8[%parallel_loop3A_191, %parallel_loop3A_192, %parallel_loop3A_193] {strides = array<i32>} : memref<3x64x256xf32, #tpu.memory_space<vmem>>, vector<1x1x16xf32>,
        %parallel_loop3A_195 = vector.shape_cast %parallel_loop3A_194 : vector<1x1x16xf32> to vector<16xf32>
        %parallel_loop3A_196 = arith.mulf %parallel_loop3A_190, %parallel_loop3A_195 : vector<16xf32>
        %parallel_loop3A_197 = arith.constant 48 : i32
        %parallel_loop3A_198 = arith.addi %parallel_loop3A_134, %parallel_loop3A_197 : i32
        %parallel_loop3A_199 = arith.index_cast %parallel_loop3A_198 : i32 to index
        %parallel_loop3A_200 = tpu.vector_load %arg9[%parallel_loop3A_199] {strides = array<i32>} : memref<32768xf32, #tpu.memory_space<vmem>>, vector<16xf32>,
        %parallel_loop3A_201 = vector.shape_cast %parallel_loop3A_200 : vector<16xf32> to vector<16xf32>
        %parallel_loop3A_202 = vector.shape_cast %parallel_loop3A_196 : vector<16xf32> to vector<16xf32>
        tpu.vector_store %arg9[%parallel_loop3A_199], %parallel_loop3A_202 {strides = array<i32>} : memref<32768xf32, #tpu.memory_space<vmem>>, vector<16xf32>,
        %parallel_loop3A_203 = arith.constant 64 : i32
        %parallel_loop3A_204 = arith.addi %parallel_loop3A_134, %parallel_loop3A_203 : i32
        %parallel_loop3A_205 = arith.index_cast %parallel_loop3A_204 : i32 to index
        %parallel_loop3A_206 = tpu.vector_load %arg7[%parallel_loop3A_205] {strides = array<i32>} : memref<32768xf32, #tpu.memory_space<vmem>>, vector<16xf32>,
        %parallel_loop3A_207 = vector.shape_cast %parallel_loop3A_206 : vector<16xf32> to vector<16xf32>
        %parallel_loop3A_208 = arith.index_cast %rem3A_76 : i32 to index
        %parallel_loop3A_209 = arith.index_cast %parallel_loop3A_131 : i32 to index
        %parallel_loop3A_210 = arith.constant 64 : index
        %parallel_loop3A_211 = tpu.vector_load %arg8[%parallel_loop3A_208, %parallel_loop3A_209, %parallel_loop3A_210] {strides = array<i32>} : memref<3x64x256xf32, #tpu.memory_space<vmem>>, vector<1x1x16xf32>,
        %parallel_loop3A_212 = vector.shape_cast %parallel_loop3A_211 : vector<1x1x16xf32> to vector<16xf32>
        %parallel_loop3A_213 = arith.mulf %parallel_loop3A_207, %parallel_loop3A_212 : vector<16xf32>
        %parallel_loop3A_214 = arith.constant 64 : i32
        %parallel_loop3A_215 = arith.addi %parallel_loop3A_134, %parallel_loop3A_214 : i32
        %parallel_loop3A_216 = arith.index_cast %parallel_loop3A_215 : i32 to index
        %parallel_loop3A_217 = tpu.vector_load %arg9[%parallel_loop3A_216] {strides = array<i32>} : memref<32768xf32, #tpu.memory_space<vmem>>, vector<16xf32>,
        %parallel_loop3A_218 = vector.shape_cast %parallel_loop3A_217 : vector<16xf32> to vector<16xf32>
        %parallel_loop3A_219 = vector.shape_cast %parallel_loop3A_213 : vector<16xf32> to vector<16xf32>
        tpu.vector_store %arg9[%parallel_loop3A_216], %parallel_loop3A_219 {strides = array<i32>} : memref<32768xf32, #tpu.memory_space<vmem>>, vector<16xf32>,
        %parallel_loop3A_220 = arith.constant 80 : i32
        %parallel_loop3A_221 = arith.addi %parallel_loop3A_134, %parallel_loop3A_220 : i32
        %parallel_loop3A_222 = arith.index_cast %parallel_loop3A_221 : i32 to index
        %parallel_loop3A_223 = tpu.vector_load %arg7[%parallel_loop3A_222] {strides = array<i32>} : memref<32768xf32, #tpu.memory_space<vmem>>, vector<16xf32>,
        %parallel_loop3A_224 = vector.shape_cast %parallel_loop3A_223 : vector<16xf32> to vector<16xf32>
        %parallel_loop3A_225 = arith.index_cast %rem3A_76 : i32 to index
        %parallel_loop3A_226 = arith.index_cast %parallel_loop3A_131 : i32 to index
        %parallel_loop3A_227 = arith.constant 80 : index
        %parallel_loop3A_228 = tpu.vector_load %arg8[%parallel_loop3A_225, %parallel_loop3A_226, %parallel_loop3A_227] {strides = array<i32>} : memref<3x64x256xf32, #tpu.memory_space<vmem>>, vector<1x1x16xf32>,
        %parallel_loop3A_229 = vector.shape_cast %parallel_loop3A_228 : vector<1x1x16xf32> to vector<16xf32>
        %parallel_loop3A_230 = arith.mulf %parallel_loop3A_224, %parallel_loop3A_229 : vector<16xf32>
        %parallel_loop3A_231 = arith.constant 80 : i32
        %parallel_loop3A_232 = arith.addi %parallel_loop3A_134, %parallel_loop3A_231 : i32
        %parallel_loop3A_233 = arith.index_cast %parallel_loop3A_232 : i32 to index
        %parallel_loop3A_234 = tpu.vector_load %arg9[%parallel_loop3A_233] {strides = array<i32>} : memref<32768xf32, #tpu.memory_space<vmem>>, vector<16xf32>,
        %parallel_loop3A_235 = vector.shape_cast %parallel_loop3A_234 : vector<16xf32> to vector<16xf32>
        %parallel_loop3A_236 = vector.shape_cast %parallel_loop3A_230 : vector<16xf32> to vector<16xf32>
        tpu.vector_store %arg9[%parallel_loop3A_233], %parallel_loop3A_236 {strides = array<i32>} : memref<32768xf32, #tpu.memory_space<vmem>>, vector<16xf32>,
        %parallel_loop3A_237 = arith.constant 96 : i32
        %parallel_loop3A_238 = arith.addi %parallel_loop3A_134, %parallel_loop3A_237 : i32
        %parallel_loop3A_239 = arith.index_cast %parallel_loop3A_238 : i32 to index
        %parallel_loop3A_240 = tpu.vector_load %arg7[%parallel_loop3A_239] {strides = array<i32>} : memref<32768xf32, #tpu.memory_space<vmem>>, vector<16xf32>,
        %parallel_loop3A_241 = vector.shape_cast %parallel_loop3A_240 : vector<16xf32> to vector<16xf32>
        %parallel_loop3A_242 = arith.index_cast %rem3A_76 : i32 to index
        %parallel_loop3A_243 = arith.index_cast %parallel_loop3A_131 : i32 to index
        %parallel_loop3A_244 = arith.constant 96 : index
        %parallel_loop3A_245 = tpu.vector_load %arg8[%parallel_loop3A_242, %parallel_loop3A_243, %parallel_loop3A_244] {strides = array<i32>} : memref<3x64x256xf32, #tpu.memory_space<vmem>>, vector<1x1x16xf32>,
        %parallel_loop3A_246 = vector.shape_cast %parallel_loop3A_245 : vector<1x1x16xf32> to vector<16xf32>
        %parallel_loop3A_247 = arith.mulf %parallel_loop3A_241, %parallel_loop3A_246 : vector<16xf32>
        %parallel_loop3A_248 = arith.constant 96 : i32
        %parallel_loop3A_249 = arith.addi %parallel_loop3A_134, %parallel_loop3A_248 : i32
        %parallel_loop3A_250 = arith.index_cast %parallel_loop3A_249 : i32 to index
        %parallel_loop3A_251 = tpu.vector_load %arg9[%parallel_loop3A_250] {strides = array<i32>} : memref<32768xf32, #tpu.memory_space<vmem>>, vector<16xf32>,
        %parallel_loop3A_252 = vector.shape_cast %parallel_loop3A_251 : vector<16xf32> to vector<16xf32>
        %parallel_loop3A_253 = vector.shape_cast %parallel_loop3A_247 : vector<16xf32> to vector<16xf32>
        tpu.vector_store %arg9[%parallel_loop3A_250], %parallel_loop3A_253 {strides = array<i32>} : memref<32768xf32, #tpu.memory_space<vmem>>, vector<16xf32>,
        %parallel_loop3A_254 = arith.constant 112 : i32
        %parallel_loop3A_255 = arith.addi %parallel_loop3A_134, %parallel_loop3A_254 : i32
        %parallel_loop3A_256 = arith.index_cast %parallel_loop3A_255 : i32 to index
        %parallel_loop3A_257 = tpu.vector_load %arg7[%parallel_loop3A_256] {strides = array<i32>} : memref<32768xf32, #tpu.memory_space<vmem>>, vector<16xf32>,
        %parallel_loop3A_258 = vector.shape_cast %parallel_loop3A_257 : vector<16xf32> to vector<16xf32>
        %parallel_loop3A_259 = arith.index_cast %rem3A_76 : i32 to index
        %parallel_loop3A_260 = arith.index_cast %parallel_loop3A_131 : i32 to index
        %parallel_loop3A_261 = arith.constant 112 : index
        %parallel_loop3A_262 = tpu.vector_load %arg8[%parallel_loop3A_259, %parallel_loop3A_260, %parallel_loop3A_261] {strides = array<i32>} : memref<3x64x256xf32, #tpu.memory_space<vmem>>, vector<1x1x16xf32>,
        %parallel_loop3A_263 = vector.shape_cast %parallel_loop3A_262 : vector<1x1x16xf32> to vector<16xf32>
        %parallel_loop3A_264 = arith.mulf %parallel_loop3A_258, %parallel_loop3A_263 : vector<16xf32>
        %parallel_loop3A_265 = arith.constant 112 : i32
        %parallel_loop3A_266 = arith.addi %parallel_loop3A_134, %parallel_loop3A_265 : i32
        %parallel_loop3A_267 = arith.index_cast %parallel_loop3A_266 : i32 to index
        %parallel_loop3A_268 = tpu.vector_load %arg9[%parallel_loop3A_267] {strides = array<i32>} : memref<32768xf32, #tpu.memory_space<vmem>>, vector<16xf32>,
        %parallel_loop3A_269 = vector.shape_cast %parallel_loop3A_268 : vector<16xf32> to vector<16xf32>
        %parallel_loop3A_270 = vector.shape_cast %parallel_loop3A_264 : vector<16xf32> to vector<16xf32>
        tpu.vector_store %arg9[%parallel_loop3A_267], %parallel_loop3A_270 {strides = array<i32>} : memref<32768xf32, #tpu.memory_space<vmem>>, vector<16xf32>,
        %parallel_loop3A_271 = arith.constant 128 : i32
        %parallel_loop3A_272 = arith.addi %parallel_loop3A_134, %parallel_loop3A_271 : i32
        %parallel_loop3A_273 = arith.index_cast %parallel_loop3A_272 : i32 to index
        %parallel_loop3A_274 = tpu.vector_load %arg7[%parallel_loop3A_273] {strides = array<i32>} : memref<32768xf32, #tpu.memory_space<vmem>>, vector<16xf32>,
        %parallel_loop3A_275 = vector.shape_cast %parallel_loop3A_274 : vector<16xf32> to vector<16xf32>
        %parallel_loop3A_276 = arith.index_cast %rem3A_76 : i32 to index
        %parallel_loop3A_277 = arith.index_cast %parallel_loop3A_131 : i32 to index
        %parallel_loop3A_278 = arith.constant 128 : index
        %parallel_loop3A_279 = tpu.vector_load %arg8[%parallel_loop3A_276, %parallel_loop3A_277, %parallel_loop3A_278] {strides = array<i32>} : memref<3x64x256xf32, #tpu.memory_space<vmem>>, vector<1x1x16xf32>,
        %parallel_loop3A_280 = vector.shape_cast %parallel_loop3A_279 : vector<1x1x16xf32> to vector<16xf32>
        %parallel_loop3A_281 = arith.mulf %parallel_loop3A_275, %parallel_loop3A_280 : vector<16xf32>
        %parallel_loop3A_282 = arith.constant 128 : i32
        %parallel_loop3A_283 = arith.addi %parallel_loop3A_134, %parallel_loop3A_282 : i32
        %parallel_loop3A_284 = arith.index_cast %parallel_loop3A_283 : i32 to index
        %parallel_loop3A_285 = tpu.vector_load %arg9[%parallel_loop3A_284] {strides = array<i32>} : memref<32768xf32, #tpu.memory_space<vmem>>, vector<16xf32>,
        %parallel_loop3A_286 = vector.shape_cast %parallel_loop3A_285 : vector<16xf32> to vector<16xf32>
        %parallel_loop3A_287 = vector.shape_cast %parallel_loop3A_281 : vector<16xf32> to vector<16xf32>
        tpu.vector_store %arg9[%parallel_loop3A_284], %parallel_loop3A_287 {strides = array<i32>} : memref<32768xf32, #tpu.memory_space<vmem>>, vector<16xf32>,
        %parallel_loop3A_288 = arith.constant 144 : i32
        %parallel_loop3A_289 = arith.addi %parallel_loop3A_134, %parallel_loop3A_288 : i32
        %parallel_loop3A_290 = arith.index_cast %parallel_loop3A_289 : i32 to index
        %parallel_loop3A_291 = tpu.vector_load %arg7[%parallel_loop3A_290] {strides = array<i32>} : memref<32768xf32, #tpu.memory_space<vmem>>, vector<16xf32>,
        %parallel_loop3A_292 = vector.shape_cast %parallel_loop3A_291 : vector<16xf32> to vector<16xf32>
        %parallel_loop3A_293 = arith.index_cast %rem3A_76 : i32 to index
        %parallel_loop3A_294 = arith.index_cast %parallel_loop3A_131 : i32 to index
        %parallel_loop3A_295 = arith.constant 144 : index
        %parallel_loop3A_296 = tpu.vector_load %arg8[%parallel_loop3A_293, %parallel_loop3A_294, %parallel_loop3A_295] {strides = array<i32>} : memref<3x64x256xf32, #tpu.memory_space<vmem>>, vector<1x1x16xf32>,
        %parallel_loop3A_297 = vector.shape_cast %parallel_loop3A_296 : vector<1x1x16xf32> to vector<16xf32>
        %parallel_loop3A_298 = arith.mulf %parallel_loop3A_292, %parallel_loop3A_297 : vector<16xf32>
        %parallel_loop3A_299 = arith.constant 144 : i32
        %parallel_loop3A_300 = arith.addi %parallel_loop3A_134, %parallel_loop3A_299 : i32
        %parallel_loop3A_301 = arith.index_cast %parallel_loop3A_300 : i32 to index
        %parallel_loop3A_302 = tpu.vector_load %arg9[%parallel_loop3A_301] {strides = array<i32>} : memref<32768xf32, #tpu.memory_space<vmem>>, vector<16xf32>,
        %parallel_loop3A_303 = vector.shape_cast %parallel_loop3A_302 : vector<16xf32> to vector<16xf32>
        %parallel_loop3A_304 = vector.shape_cast %parallel_loop3A_298 : vector<16xf32> to vector<16xf32>
        tpu.vector_store %arg9[%parallel_loop3A_301], %parallel_loop3A_304 {strides = array<i32>} : memref<32768xf32, #tpu.memory_space<vmem>>, vector<16xf32>,
        %parallel_loop3A_305 = arith.constant 160 : i32
        %parallel_loop3A_306 = arith.addi %parallel_loop3A_134, %parallel_loop3A_305 : i32
        %parallel_loop3A_307 = arith.index_cast %parallel_loop3A_306 : i32 to index
        %parallel_loop3A_308 = tpu.vector_load %arg7[%parallel_loop3A_307] {strides = array<i32>} : memref<32768xf32, #tpu.memory_space<vmem>>, vector<16xf32>,
        %parallel_loop3A_309 = vector.shape_cast %parallel_loop3A_308 : vector<16xf32> to vector<16xf32>
        %parallel_loop3A_310 = arith.index_cast %rem3A_76 : i32 to index
        %parallel_loop3A_311 = arith.index_cast %parallel_loop3A_131 : i32 to index
        %parallel_loop3A_312 = arith.constant 160 : index
        %parallel_loop3A_313 = tpu.vector_load %arg8[%parallel_loop3A_310, %parallel_loop3A_311, %parallel_loop3A_312] {strides = array<i32>} : memref<3x64x256xf32, #tpu.memory_space<vmem>>, vector<1x1x16xf32>,
        %parallel_loop3A_314 = vector.shape_cast %parallel_loop3A_313 : vector<1x1x16xf32> to vector<16xf32>
        %parallel_loop3A_315 = arith.mulf %parallel_loop3A_309, %parallel_loop3A_314 : vector<16xf32>
        %parallel_loop3A_316 = arith.constant 160 : i32
        %parallel_loop3A_317 = arith.addi %parallel_loop3A_134, %parallel_loop3A_316 : i32
        %parallel_loop3A_318 = arith.index_cast %parallel_loop3A_317 : i32 to index
        %parallel_loop3A_319 = tpu.vector_load %arg9[%parallel_loop3A_318] {strides = array<i32>} : memref<32768xf32, #tpu.memory_space<vmem>>, vector<16xf32>,
        %parallel_loop3A_320 = vector.shape_cast %parallel_loop3A_319 : vector<16xf32> to vector<16xf32>
        %parallel_loop3A_321 = vector.shape_cast %parallel_loop3A_315 : vector<16xf32> to vector<16xf32>
        tpu.vector_store %arg9[%parallel_loop3A_318], %parallel_loop3A_321 {strides = array<i32>} : memref<32768xf32, #tpu.memory_space<vmem>>, vector<16xf32>,
        %parallel_loop3A_322 = arith.constant 176 : i32
        %parallel_loop3A_323 = arith.addi %parallel_loop3A_134, %parallel_loop3A_322 : i32
        %parallel_loop3A_324 = arith.index_cast %parallel_loop3A_323 : i32 to index
        %parallel_loop3A_325 = tpu.vector_load %arg7[%parallel_loop3A_324] {strides = array<i32>} : memref<32768xf32, #tpu.memory_space<vmem>>, vector<16xf32>,
        %parallel_loop3A_326 = vector.shape_cast %parallel_loop3A_325 : vector<16xf32> to vector<16xf32>
        %parallel_loop3A_327 = arith.index_cast %rem3A_76 : i32 to index
        %parallel_loop3A_328 = arith.index_cast %parallel_loop3A_131 : i32 to index
        %parallel_loop3A_329 = arith.constant 176 : index
        %parallel_loop3A_330 = tpu.vector_load %arg8[%parallel_loop3A_327, %parallel_loop3A_328, %parallel_loop3A_329] {strides = array<i32>} : memref<3x64x256xf32, #tpu.memory_space<vmem>>, vector<1x1x16xf32>,
        %parallel_loop3A_331 = vector.shape_cast %parallel_loop3A_330 : vector<1x1x16xf32> to vector<16xf32>
        %parallel_loop3A_332 = arith.mulf %parallel_loop3A_326, %parallel_loop3A_331 : vector<16xf32>
        %parallel_loop3A_333 = arith.constant 176 : i32
        %parallel_loop3A_334 = arith.addi %parallel_loop3A_134, %parallel_loop3A_333 : i32
        %parallel_loop3A_335 = arith.index_cast %parallel_loop3A_334 : i32 to index
        %parallel_loop3A_336 = tpu.vector_load %arg9[%parallel_loop3A_335] {strides = array<i32>} : memref<32768xf32, #tpu.memory_space<vmem>>, vector<16xf32>,
        %parallel_loop3A_337 = vector.shape_cast %parallel_loop3A_336 : vector<16xf32> to vector<16xf32>
        %parallel_loop3A_338 = vector.shape_cast %parallel_loop3A_332 : vector<16xf32> to vector<16xf32>
        tpu.vector_store %arg9[%parallel_loop3A_335], %parallel_loop3A_338 {strides = array<i32>} : memref<32768xf32, #tpu.memory_space<vmem>>, vector<16xf32>,
        %parallel_loop3A_339 = arith.constant 192 : i32
        %parallel_loop3A_340 = arith.addi %parallel_loop3A_134, %parallel_loop3A_339 : i32
        %parallel_loop3A_341 = arith.index_cast %parallel_loop3A_340 : i32 to index
        %parallel_loop3A_342 = tpu.vector_load %arg7[%parallel_loop3A_341] {strides = array<i32>} : memref<32768xf32, #tpu.memory_space<vmem>>, vector<16xf32>,
        %parallel_loop3A_343 = vector.shape_cast %parallel_loop3A_342 : vector<16xf32> to vector<16xf32>
        %parallel_loop3A_344 = arith.index_cast %rem3A_76 : i32 to index
        %parallel_loop3A_345 = arith.index_cast %parallel_loop3A_131 : i32 to index
        %parallel_loop3A_346 = arith.constant 192 : index
        %parallel_loop3A_347 = tpu.vector_load %arg8[%parallel_loop3A_344, %parallel_loop3A_345, %parallel_loop3A_346] {strides = array<i32>} : memref<3x64x256xf32, #tpu.memory_space<vmem>>, vector<1x1x16xf32>,
        %parallel_loop3A_348 = vector.shape_cast %parallel_loop3A_347 : vector<1x1x16xf32> to vector<16xf32>
        %parallel_loop3A_349 = arith.mulf %parallel_loop3A_343, %parallel_loop3A_348 : vector<16xf32>
        %parallel_loop3A_350 = arith.constant 192 : i32
        %parallel_loop3A_351 = arith.addi %parallel_loop3A_134, %parallel_loop3A_350 : i32
        %parallel_loop3A_352 = arith.index_cast %parallel_loop3A_351 : i32 to index
        %parallel_loop3A_353 = tpu.vector_load %arg9[%parallel_loop3A_352] {strides = array<i32>} : memref<32768xf32, #tpu.memory_space<vmem>>, vector<16xf32>,
        %parallel_loop3A_354 = vector.shape_cast %parallel_loop3A_353 : vector<16xf32> to vector<16xf32>
        %parallel_loop3A_355 = vector.shape_cast %parallel_loop3A_349 : vector<16xf32> to vector<16xf32>
        tpu.vector_store %arg9[%parallel_loop3A_352], %parallel_loop3A_355 {strides = array<i32>} : memref<32768xf32, #tpu.memory_space<vmem>>, vector<16xf32>,
        %parallel_loop3A_356 = arith.constant 208 : i32
        %parallel_loop3A_357 = arith.addi %parallel_loop3A_134, %parallel_loop3A_356 : i32
        %parallel_loop3A_358 = arith.index_cast %parallel_loop3A_357 : i32 to index
        %parallel_loop3A_359 = tpu.vector_load %arg7[%parallel_loop3A_358] {strides = array<i32>} : memref<32768xf32, #tpu.memory_space<vmem>>, vector<16xf32>,
        %parallel_loop3A_360 = vector.shape_cast %parallel_loop3A_359 : vector<16xf32> to vector<16xf32>
        %parallel_loop3A_361 = arith.index_cast %rem3A_76 : i32 to index
        %parallel_loop3A_362 = arith.index_cast %parallel_loop3A_131 : i32 to index
        %parallel_loop3A_363 = arith.constant 208 : index
        %parallel_loop3A_364 = tpu.vector_load %arg8[%parallel_loop3A_361, %parallel_loop3A_362, %parallel_loop3A_363] {strides = array<i32>} : memref<3x64x256xf32, #tpu.memory_space<vmem>>, vector<1x1x16xf32>,
        %parallel_loop3A_365 = vector.shape_cast %parallel_loop3A_364 : vector<1x1x16xf32> to vector<16xf32>
        %parallel_loop3A_366 = arith.mulf %parallel_loop3A_360, %parallel_loop3A_365 : vector<16xf32>
        %parallel_loop3A_367 = arith.constant 208 : i32
        %parallel_loop3A_368 = arith.addi %parallel_loop3A_134, %parallel_loop3A_367 : i32
        %parallel_loop3A_369 = arith.index_cast %parallel_loop3A_368 : i32 to index
        %parallel_loop3A_370 = tpu.vector_load %arg9[%parallel_loop3A_369] {strides = array<i32>} : memref<32768xf32, #tpu.memory_space<vmem>>, vector<16xf32>,
        %parallel_loop3A_371 = vector.shape_cast %parallel_loop3A_370 : vector<16xf32> to vector<16xf32>
        %parallel_loop3A_372 = vector.shape_cast %parallel_loop3A_366 : vector<16xf32> to vector<16xf32>
        tpu.vector_store %arg9[%parallel_loop3A_369], %parallel_loop3A_372 {strides = array<i32>} : memref<32768xf32, #tpu.memory_space<vmem>>, vector<16xf32>,
        %parallel_loop3A_373 = arith.constant 224 : i32
        %parallel_loop3A_374 = arith.addi %parallel_loop3A_134, %parallel_loop3A_373 : i32
        %parallel_loop3A_375 = arith.index_cast %parallel_loop3A_374 : i32 to index
        %parallel_loop3A_376 = tpu.vector_load %arg7[%parallel_loop3A_375] {strides = array<i32>} : memref<32768xf32, #tpu.memory_space<vmem>>, vector<16xf32>,
        %parallel_loop3A_377 = vector.shape_cast %parallel_loop3A_376 : vector<16xf32> to vector<16xf32>
        %parallel_loop3A_378 = arith.index_cast %rem3A_76 : i32 to index
        %parallel_loop3A_379 = arith.index_cast %parallel_loop3A_131 : i32 to index
        %parallel_loop3A_380 = arith.constant 224 : index
        %parallel_loop3A_381 = tpu.vector_load %arg8[%parallel_loop3A_378, %parallel_loop3A_379, %parallel_loop3A_380] {strides = array<i32>} : memref<3x64x256xf32, #tpu.memory_space<vmem>>, vector<1x1x16xf32>,
        %parallel_loop3A_382 = vector.shape_cast %parallel_loop3A_381 : vector<1x1x16xf32> to vector<16xf32>
        %parallel_loop3A_383 = arith.mulf %parallel_loop3A_377, %parallel_loop3A_382 : vector<16xf32>
        %parallel_loop3A_384 = arith.constant 224 : i32
        %parallel_loop3A_385 = arith.addi %parallel_loop3A_134, %parallel_loop3A_384 : i32
        %parallel_loop3A_386 = arith.index_cast %parallel_loop3A_385 : i32 to index
        %parallel_loop3A_387 = tpu.vector_load %arg9[%parallel_loop3A_386] {strides = array<i32>} : memref<32768xf32, #tpu.memory_space<vmem>>, vector<16xf32>,
        %parallel_loop3A_388 = vector.shape_cast %parallel_loop3A_387 : vector<16xf32> to vector<16xf32>
        %parallel_loop3A_389 = vector.shape_cast %parallel_loop3A_383 : vector<16xf32> to vector<16xf32>
        tpu.vector_store %arg9[%parallel_loop3A_386], %parallel_loop3A_389 {strides = array<i32>} : memref<32768xf32, #tpu.memory_space<vmem>>, vector<16xf32>,
        %parallel_loop3A_390 = arith.constant 240 : i32
        %parallel_loop3A_391 = arith.addi %parallel_loop3A_134, %parallel_loop3A_390 : i32
        %parallel_loop3A_392 = arith.index_cast %parallel_loop3A_391 : i32 to index
        %parallel_loop3A_393 = tpu.vector_load %arg7[%parallel_loop3A_392] {strides = array<i32>} : memref<32768xf32, #tpu.memory_space<vmem>>, vector<16xf32>,
        %parallel_loop3A_394 = vector.shape_cast %parallel_loop3A_393 : vector<16xf32> to vector<16xf32>
        %parallel_loop3A_395 = arith.index_cast %rem3A_76 : i32 to index
        %parallel_loop3A_396 = arith.index_cast %parallel_loop3A_131 : i32 to index
        %parallel_loop3A_397 = arith.constant 240 : index
        %parallel_loop3A_398 = tpu.vector_load %arg8[%parallel_loop3A_395, %parallel_loop3A_396, %parallel_loop3A_397] {strides = array<i32>} : memref<3x64x256xf32, #tpu.memory_space<vmem>>, vector<1x1x16xf32>,
        %parallel_loop3A_399 = vector.shape_cast %parallel_loop3A_398 : vector<1x1x16xf32> to vector<16xf32>
        %parallel_loop3A_400 = arith.mulf %parallel_loop3A_394, %parallel_loop3A_399 : vector<16xf32>
        %parallel_loop3A_401 = arith.constant 240 : i32
        %parallel_loop3A_402 = arith.addi %parallel_loop3A_134, %parallel_loop3A_401 : i32
        %parallel_loop3A_403 = arith.index_cast %parallel_loop3A_402 : i32 to index
        %parallel_loop3A_404 = tpu.vector_load %arg9[%parallel_loop3A_403] {strides = array<i32>} : memref<32768xf32, #tpu.memory_space<vmem>>, vector<16xf32>,
        %parallel_loop3A_405 = vector.shape_cast %parallel_loop3A_404 : vector<16xf32> to vector<16xf32>
        %parallel_loop3A_406 = vector.shape_cast %parallel_loop3A_400 : vector<16xf32> to vector<16xf32>
        tpu.vector_store %arg9[%parallel_loop3A_403], %parallel_loop3A_406 {strides = array<i32>} : memref<32768xf32, #tpu.memory_space<vmem>>, vector<16xf32>,
      } {sc.loop_unroll_factor = 2 : i64, sc.parallel_access}
      %mul3A_121 = arith.constant 64 : i32
      %mul3A_122 = arith.muli %while3A_71, %mul3A_121 : i32
      %add3A_123 = arith.addi %mul3A_4, %mul3A_122 : i32
      %mul3A_124 = arith.constant 256 : i32
      %mul3A_125 = arith.muli %add3A_123, %mul3A_124 : i32
      %dma_start3A_126 = tpu.memref_slice %arg9[%mul3A_117] : memref<32768xf32, #tpu.memory_space<vmem>> -> memref<16384xf32, #tpu.memory_space<vmem>>
      %dma_start3A_127 = tpu.memref_slice %arg5[%mul3A_125] : memref<51200000xf32, #tpu.memory_space<hbm>> -> memref<16384xf32, #tpu.memory_space<hbm>>
      %dma_start3A_128 = tpu.memref_slice %arg5[%mul3A_125] : memref<51200000xf32, #tpu.memory_space<hbm>> -> memref<16384xf32, #tpu.memory_space<hbm>>
      %dma_start3A_129 = tpu.memref_slice %arg9[%mul3A_117] : memref<32768xf32, #tpu.memory_space<vmem>> -> memref<16384xf32, #tpu.memory_space<vmem>>
      tpu.enqueue_dma source(%dma_start3A_129 : memref<16384xf32, #tpu.memory_space<vmem>>) target(%dma_start3A_128 : memref<16384xf32, #tpu.memory_space<hbm>>) target_semaphore(%arg15 : memref<!tpu.dma_semaphore, #tpu.memory_space<semaphore_mem>>)
      %while3A_130 = arith.constant 0 : i32
      scf.yield %while3A_130 : i32
    }
    %while3A_54 = arith.constant 1 : i32
    %while3A_55 = scf.for %while3A_71 = %while3A_51 to %while3A_47 step %while3A_54 iter_args(%while3A_72 = %while3A_53) -> (i32)  : i32 {
      %rem3A = arith.constant 2 : i32
      %rem3A_73 = arith.remsi %while3A_71, %rem3A : i32
      %sub3A = arith.constant 1 : i32
      %sub3A_74 = arith.subi %sub3A, %rem3A_73 : i32
      %rem3A_75 = arith.constant 3 : i32
      %rem3A_76 = arith.remsi %while3A_71, %rem3A_75 : i32
      %add3A_77 = arith.constant 2 : i32
      %add3A_78 = arith.addi %while3A_71, %add3A_77 : i32
      %lt3A_79 = arith.cmpi slt, %add3A_78, %select_n3A : i32
      %convert_element_type3A_80 = arith.extui %lt3A_79 : i1 to i32
      %cond3A_81 = arith.constant 0 : i32
      %cond3A_82 = arith.cmpi ne, %convert_element_type3A_80, %cond3A_81 : i32
      scf.if %cond3A_82 {
        %add3A_131 = arith.constant 2 : i32
        %add3A_132 = arith.addi %while3A_71, %add3A_131 : i32
        %rem3A_133 = arith.constant 3 : i32
        %rem3A_134 = arith.remsi %add3A_132, %rem3A_133 : i32
        %eq3A_135 = arith.constant 0 : i32
        %eq3A_136 = arith.cmpi eq, %rem3A_134, %eq3A_135 : i32
        %convert_element_type3A_137 = arith.extui %eq3A_136 : i1 to i32
        %cond3A_138 = arith.constant 0 : i32
        %cond3A_139 = arith.cmpi ne, %convert_element_type3A_137, %cond3A_138 : i32
        scf.if %cond3A_139 {
          %add3A_150 = arith.constant 2 : i32
          %add3A_151 = arith.addi %while3A_71, %add3A_150 : i32
          %mul3A_152 = arith.constant 64 : i32
          %mul3A_153 = arith.muli %add3A_151, %mul3A_152 : i32
          %dma_start3A_154 = arith.constant 0 : i32
          %dma_start3A_155 = arith.constant 0 : i32
          %dma_start3A_156 = arith.constant 0 : i32
          %dma_start3A_157 = tpu.memref_slice %arg8[%dma_start3A_154, %dma_start3A_155, %dma_start3A_156] : memref<3x64x256xf32, #tpu.memory_space<vmem>> -> memref<1x64x256xf32, #tpu.memory_space<vmem>>
          %dma_start3A_158 = tpu.memref_squeeze %dma_start3A_157 : memref<1x64x256xf32, #tpu.memory_space<vmem>> -> memref<64x256xf32, #tpu.memory_space<vmem>>
          %dma_start3A_159 = tpu.memref_slice %arg6[%mul3A_153] : memref<6272xi32, #tpu.memory_space<vmem>> -> memref<64xi32, #tpu.memory_space<vmem>>
          %dma_start3A_160 = arith.constant 0 : i32
          %dma_start3A_161 = arith.constant 0 : i32
          %dma_start3A_162 = tpu.memref_slice %arg4[%dma_start3A_160, %dma_start3A_161] : memref<1024x256xf32, #tpu.memory_space<hbm>> -> memref<1024x256xf32, #tpu.memory_space<hbm>>
          tpu.enqueue_indirect_dma source(%dma_start3A_162 : memref<1024x256xf32, #tpu.memory_space<hbm>>) target(%dma_start3A_158 : memref<64x256xf32, #tpu.memory_space<vmem>>) offsets(%dma_start3A_159 : memref<64xi32, #tpu.memory_space<vmem>>) semaphore(%arg12 : memref<!tpu.dma_semaphore, #tpu.memory_space<semaphore_mem>>)
        } else {
        }
        %eq3A_140 = arith.constant 1 : i32
        %eq3A_141 = arith.cmpi eq, %rem3A_134, %eq3A_140 : i32
        %convert_element_type3A_142 = arith.extui %eq3A_141 : i1 to i32
        %cond3A_143 = arith.constant 0 : i32
        %cond3A_144 = arith.cmpi ne, %convert_element_type3A_142, %cond3A_143 : i32
        scf.if %cond3A_144 {
          %add3A_150 = arith.constant 2 : i32
          %add3A_151 = arith.addi %while3A_71, %add3A_150 : i32
          %mul3A_152 = arith.constant 64 : i32
          %mul3A_153 = arith.muli %add3A_151, %mul3A_152 : i32
          %dma_start3A_154 = arith.constant 1 : i32
          %dma_start3A_155 = arith.constant 0 : i32
          %dma_start3A_156 = arith.constant 0 : i32
          %dma_start3A_157 = tpu.memref_slice %arg8[%dma_start3A_154, %dma_start3A_155, %dma_start3A_156] : memref<3x64x256xf32, #tpu.memory_space<vmem>> -> memref<1x64x256xf32, #tpu.memory_space<vmem>>
          %dma_start3A_158 = tpu.memref_squeeze %dma_start3A_157 : memref<1x64x256xf32, #tpu.memory_space<vmem>> -> memref<64x256xf32, #tpu.memory_space<vmem>>
          %dma_start3A_159 = tpu.memref_slice %arg6[%mul3A_153] : memref<6272xi32, #tpu.memory_space<vmem>> -> memref<64xi32, #tpu.memory_space<vmem>>
          %dma_start3A_160 = arith.constant 0 : i32
          %dma_start3A_161 = arith.constant 0 : i32
          %dma_start3A_162 = tpu.memref_slice %arg4[%dma_start3A_160, %dma_start3A_161] : memref<1024x256xf32, #tpu.memory_space<hbm>> -> memref<1024x256xf32, #tpu.memory_space<hbm>>
          tpu.enqueue_indirect_dma source(%dma_start3A_162 : memref<1024x256xf32, #tpu.memory_space<hbm>>) target(%dma_start3A_158 : memref<64x256xf32, #tpu.memory_space<vmem>>) offsets(%dma_start3A_159 : memref<64xi32, #tpu.memory_space<vmem>>) semaphore(%arg13 : memref<!tpu.dma_semaphore, #tpu.memory_space<semaphore_mem>>)
        } else {
        }
        %eq3A_145 = arith.constant 2 : i32
        %eq3A_146 = arith.cmpi eq, %rem3A_134, %eq3A_145 : i32
        %convert_element_type3A_147 = arith.extui %eq3A_146 : i1 to i32
        %cond3A_148 = arith.constant 0 : i32
        %cond3A_149 = arith.cmpi ne, %convert_element_type3A_147, %cond3A_148 : i32
        scf.if %cond3A_149 {
          %add3A_150 = arith.constant 2 : i32
          %add3A_151 = arith.addi %while3A_71, %add3A_150 : i32
          %mul3A_152 = arith.constant 64 : i32
          %mul3A_153 = arith.muli %add3A_151, %mul3A_152 : i32
          %dma_start3A_154 = arith.constant 2 : i32
          %dma_start3A_155 = arith.constant 0 : i32
          %dma_start3A_156 = arith.constant 0 : i32
          %dma_start3A_157 = tpu.memref_slice %arg8[%dma_start3A_154, %dma_start3A_155, %dma_start3A_156] : memref<3x64x256xf32, #tpu.memory_space<vmem>> -> memref<1x64x256xf32, #tpu.memory_space<vmem>>
          %dma_start3A_158 = tpu.memref_squeeze %dma_start3A_157 : memref<1x64x256xf32, #tpu.memory_space<vmem>> -> memref<64x256xf32, #tpu.memory_space<vmem>>
          %dma_start3A_159 = tpu.memref_slice %arg6[%mul3A_153] : memref<6272xi32, #tpu.memory_space<vmem>> -> memref<64xi32, #tpu.memory_space<vmem>>
          %dma_start3A_160 = arith.constant 0 : i32
          %dma_start3A_161 = arith.constant 0 : i32
          %dma_start3A_162 = tpu.memref_slice %arg4[%dma_start3A_160, %dma_start3A_161] : memref<1024x256xf32, #tpu.memory_space<hbm>> -> memref<1024x256xf32, #tpu.memory_space<hbm>>
          tpu.enqueue_indirect_dma source(%dma_start3A_162 : memref<1024x256xf32, #tpu.memory_space<hbm>>) target(%dma_start3A_158 : memref<64x256xf32, #tpu.memory_space<vmem>>) offsets(%dma_start3A_159 : memref<64xi32, #tpu.memory_space<vmem>>) semaphore(%arg14 : memref<!tpu.dma_semaphore, #tpu.memory_space<semaphore_mem>>)
        } else {
        }
      } else {
      }
      %add3A_83 = arith.constant 1 : i32
      %add3A_84 = arith.addi %while3A_71, %add3A_83 : i32
      %lt3A_85 = arith.cmpi slt, %add3A_84, %select_n3A : i32
      %convert_element_type3A_86 = arith.extui %lt3A_85 : i1 to i32
      %cond3A_87 = arith.constant 0 : i32
      %cond3A_88 = arith.cmpi ne, %convert_element_type3A_86, %cond3A_87 : i32
      scf.if %cond3A_88 {
        %add3A_131 = arith.constant 1 : i32
        %add3A_132 = arith.addi %while3A_71, %add3A_131 : i32
        %mul3A_133 = arith.constant 64 : i32
        %mul3A_134 = arith.muli %add3A_132, %mul3A_133 : i32
        %add3A_135 = arith.addi %mul3A_4, %mul3A_134 : i32
        %mul3A_136 = arith.constant 256 : i32
        %mul3A_137 = arith.muli %add3A_135, %mul3A_136 : i32
        %mul3A_138 = arith.constant 16384 : i32
        %mul3A_139 = arith.muli %sub3A_74, %mul3A_138 : i32
        %dma_start3A_140 = tpu.memref_slice %arg7[%mul3A_139] : memref<32768xf32, #tpu.memory_space<vmem>> -> memref<16384xf32, #tpu.memory_space<vmem>>
        %dma_start3A_141 = tpu.memref_slice %arg2[%mul3A_137] : memref<51200000xf32, #tpu.memory_space<hbm>> -> memref<16384xf32, #tpu.memory_space<hbm>>
        %dma_start3A_142 = tpu.memref_slice %arg7[%mul3A_139] : memref<32768xf32, #tpu.memory_space<vmem>> -> memref<16384xf32, #tpu.memory_space<vmem>>
        %dma_start3A_143 = tpu.memref_slice %arg2[%mul3A_137] : memref<51200000xf32, #tpu.memory_space<hbm>> -> memref<16384xf32, #tpu.memory_space<hbm>>
        tpu.enqueue_dma source(%dma_start3A_143 : memref<16384xf32, #tpu.memory_space<hbm>>) target(%dma_start3A_142 : memref<16384xf32, #tpu.memory_space<vmem>>) target_semaphore(%arg11 : memref<!tpu.dma_semaphore, #tpu.memory_space<semaphore_mem>>)
      } else {
      }
      %mul3A_89 = arith.constant 16384 : i32
      %mul3A_90 = arith.muli %rem3A_73, %mul3A_89 : i32
      %dma_wait3A_91 = tpu.memref_slice %arg7[%mul3A_90] : memref<32768xf32, #tpu.memory_space<vmem>> -> memref<16384xf32, #tpu.memory_space<vmem>>
      %dma_wait3A_92 = arith.constant 0 : i32
      %dma_wait3A_93 = tpu.memref_slice %arg2[%dma_wait3A_92] : memref<51200000xf32, #tpu.memory_space<hbm>> -> memref<16384xf32, #tpu.memory_space<hbm>>
      %dma_wait3A_94 = tpu.memref_slice %arg7[%mul3A_90] : memref<32768xf32, #tpu.memory_space<vmem>> -> memref<16384xf32, #tpu.memory_space<vmem>>
      %dma_wait3A_95 = arith.constant 0 : i32
      %dma_wait3A_96 = tpu.memref_slice %arg2[%dma_wait3A_95] : memref<51200000xf32, #tpu.memory_space<hbm>> -> memref<16384xf32, #tpu.memory_space<hbm>>
      tpu.wait_dma2 semaphore(%arg11 : memref<!tpu.dma_semaphore, #tpu.memory_space<semaphore_mem>>) src(%dma_wait3A_96 : memref<16384xf32, #tpu.memory_space<hbm>>) dst(%dma_wait3A_94 : memref<16384xf32, #tpu.memory_space<vmem>>)
      %eq3A_97 = arith.constant 0 : i32
      %eq3A_98 = arith.cmpi eq, %rem3A_76, %eq3A_97 : i32
      %convert_element_type3A_99 = arith.extui %eq3A_98 : i1 to i32
      %cond3A_100 = arith.constant 0 : i32
      %cond3A_101 = arith.cmpi ne, %convert_element_type3A_99, %cond3A_100 : i32
      scf.if %cond3A_101 {
        %dma_wait3A_131 = arith.constant 0 : i32
        %dma_wait3A_132 = arith.constant 0 : i32
        %dma_wait3A_133 = arith.constant 0 : i32
        %dma_wait3A_134 = tpu.memref_slice %arg8[%dma_wait3A_131, %dma_wait3A_132, %dma_wait3A_133] : memref<3x64x256xf32, #tpu.memory_space<vmem>> -> memref<1x64x256xf32, #tpu.memory_space<vmem>>
        %dma_wait3A_135 = tpu.memref_squeeze %dma_wait3A_134 : memref<1x64x256xf32, #tpu.memory_space<vmem>> -> memref<64x256xf32, #tpu.memory_space<vmem>>
        %dma_wait3A_136 = arith.constant 0 : i32
        %dma_wait3A_137 = tpu.memref_slice %arg6[%dma_wait3A_136] : memref<6272xi32, #tpu.memory_space<vmem>> -> memref<64xi32, #tpu.memory_space<vmem>>
        %dma_wait3A_138 = arith.constant 0 : i32
        %dma_wait3A_139 = arith.constant 0 : i32
        %dma_wait3A_140 = tpu.memref_slice %arg4[%dma_wait3A_138, %dma_wait3A_139] : memref<1024x256xf32, #tpu.memory_space<hbm>> -> memref<1024x256xf32, #tpu.memory_space<hbm>>
        tpu.wait_indirect_dma semaphore(%arg12 : memref<!tpu.dma_semaphore, #tpu.memory_space<semaphore_mem>>) src(%dma_wait3A_140 : memref<1024x256xf32, #tpu.memory_space<hbm>>) dst(%dma_wait3A_135 : memref<64x256xf32, #tpu.memory_space<vmem>>)
      } else {
      }
      %eq3A_102 = arith.constant 1 : i32
      %eq3A_103 = arith.cmpi eq, %rem3A_76, %eq3A_102 : i32
      %convert_element_type3A_104 = arith.extui %eq3A_103 : i1 to i32
      %cond3A_105 = arith.constant 0 : i32
      %cond3A_106 = arith.cmpi ne, %convert_element_type3A_104, %cond3A_105 : i32
      scf.if %cond3A_106 {
        %dma_wait3A_131 = arith.constant 1 : i32
        %dma_wait3A_132 = arith.constant 0 : i32
        %dma_wait3A_133 = arith.constant 0 : i32
        %dma_wait3A_134 = tpu.memref_slice %arg8[%dma_wait3A_131, %dma_wait3A_132, %dma_wait3A_133] : memref<3x64x256xf32, #tpu.memory_space<vmem>> -> memref<1x64x256xf32, #tpu.memory_space<vmem>>
        %dma_wait3A_135 = tpu.memref_squeeze %dma_wait3A_134 : memref<1x64x256xf32, #tpu.memory_space<vmem>> -> memref<64x256xf32, #tpu.memory_space<vmem>>
        %dma_wait3A_136 = arith.constant 0 : i32
        %dma_wait3A_137 = tpu.memref_slice %arg6[%dma_wait3A_136] : memref<6272xi32, #tpu.memory_space<vmem>> -> memref<64xi32, #tpu.memory_space<vmem>>
        %dma_wait3A_138 = arith.constant 0 : i32
        %dma_wait3A_139 = arith.constant 0 : i32
        %dma_wait3A_140 = tpu.memref_slice %arg4[%dma_wait3A_138, %dma_wait3A_139] : memref<1024x256xf32, #tpu.memory_space<hbm>> -> memref<1024x256xf32, #tpu.memory_space<hbm>>
        tpu.wait_indirect_dma semaphore(%arg13 : memref<!tpu.dma_semaphore, #tpu.memory_space<semaphore_mem>>) src(%dma_wait3A_140 : memref<1024x256xf32, #tpu.memory_space<hbm>>) dst(%dma_wait3A_135 : memref<64x256xf32, #tpu.memory_space<vmem>>)
      } else {
      }
      %eq3A_107 = arith.constant 2 : i32
      %eq3A_108 = arith.cmpi eq, %rem3A_76, %eq3A_107 : i32
      %convert_element_type3A_109 = arith.extui %eq3A_108 : i1 to i32
      %cond3A_110 = arith.constant 0 : i32
      %cond3A_111 = arith.cmpi ne, %convert_element_type3A_109, %cond3A_110 : i32
      scf.if %cond3A_111 {
        %dma_wait3A_131 = arith.constant 2 : i32
        %dma_wait3A_132 = arith.constant 0 : i32
        %dma_wait3A_133 = arith.constant 0 : i32
        %dma_wait3A_134 = tpu.memref_slice %arg8[%dma_wait3A_131, %dma_wait3A_132, %dma_wait3A_133] : memref<3x64x256xf32, #tpu.memory_space<vmem>> -> memref<1x64x256xf32, #tpu.memory_space<vmem>>
        %dma_wait3A_135 = tpu.memref_squeeze %dma_wait3A_134 : memref<1x64x256xf32, #tpu.memory_space<vmem>> -> memref<64x256xf32, #tpu.memory_space<vmem>>
        %dma_wait3A_136 = arith.constant 0 : i32
        %dma_wait3A_137 = tpu.memref_slice %arg6[%dma_wait3A_136] : memref<6272xi32, #tpu.memory_space<vmem>> -> memref<64xi32, #tpu.memory_space<vmem>>
        %dma_wait3A_138 = arith.constant 0 : i32
        %dma_wait3A_139 = arith.constant 0 : i32
        %dma_wait3A_140 = tpu.memref_slice %arg4[%dma_wait3A_138, %dma_wait3A_139] : memref<1024x256xf32, #tpu.memory_space<hbm>> -> memref<1024x256xf32, #tpu.memory_space<hbm>>
        tpu.wait_indirect_dma semaphore(%arg14 : memref<!tpu.dma_semaphore, #tpu.memory_space<semaphore_mem>>) src(%dma_wait3A_140 : memref<1024x256xf32, #tpu.memory_space<hbm>>) dst(%dma_wait3A_135 : memref<64x256xf32, #tpu.memory_space<vmem>>)
      } else {
      }
      %ge3A = arith.constant 2 : i32
      %ge3A_112 = arith.cmpi sge, %while3A_71, %ge3A : i32
      %convert_element_type3A_113 = arith.extui %ge3A_112 : i1 to i32
      %cond3A_114 = arith.constant 0 : i32
      %cond3A_115 = arith.cmpi ne, %convert_element_type3A_113, %cond3A_114 : i32
      scf.if %cond3A_115 {
        %mul3A_131 = arith.constant 16384 : i32
        %mul3A_132 = arith.muli %rem3A_73, %mul3A_131 : i32
        %dma_wait3A_133 = tpu.memref_slice %arg9[%mul3A_132] : memref<32768xf32, #tpu.memory_space<vmem>> -> memref<16384xf32, #tpu.memory_space<vmem>>
        %dma_wait3A_134 = arith.constant 0 : i32
        %dma_wait3A_135 = tpu.memref_slice %arg5[%dma_wait3A_134] : memref<51200000xf32, #tpu.memory_space<hbm>> -> memref<16384xf32, #tpu.memory_space<hbm>>
        %dma_wait3A_136 = arith.constant 0 : i32
        %dma_wait3A_137 = tpu.memref_slice %arg5[%dma_wait3A_136] : memref<51200000xf32, #tpu.memory_space<hbm>> -> memref<16384xf32, #tpu.memory_space<hbm>>
        %dma_wait3A_138 = tpu.memref_slice %arg9[%mul3A_132] : memref<32768xf32, #tpu.memory_space<vmem>> -> memref<16384xf32, #tpu.memory_space<vmem>>
        tpu.wait_dma2 semaphore(%arg15 : memref<!tpu.dma_semaphore, #tpu.memory_space<semaphore_mem>>) src(%dma_wait3A_138 : memref<16384xf32, #tpu.memory_space<vmem>>) dst(%dma_wait3A_137 : memref<16384xf32, #tpu.memory_space<hbm>>)
      } else {
      }
      %mul3A_116 = arith.constant 16384 : i32
      %mul3A_117 = arith.muli %rem3A_73, %mul3A_116 : i32
      %parallel_loop3A_118 = arith.constant 0 : i32
      %parallel_loop3A_119 = arith.constant 64 : i32
      %parallel_loop3A_120 = arith.constant 1 : i32
      scf.for %parallel_loop3A_131 = %parallel_loop3A_118 to %parallel_loop3A_119 step %parallel_loop3A_120  : i32 {
        %parallel_loop3A_132 = arith.constant 256 : i32
        %parallel_loop3A_133 = arith.muli %parallel_loop3A_131, %parallel_loop3A_132 : i32
        %parallel_loop3A_134 = arith.addi %mul3A_117, %parallel_loop3A_133 : i32
        %parallel_loop3A_135 = arith.constant 0 : i32
        %parallel_loop3A_136 = arith.addi %parallel_loop3A_134, %parallel_loop3A_135 : i32
        %parallel_loop3A_137 = arith.index_cast %parallel_loop3A_136 : i32 to index
        %parallel_loop3A_138 = tpu.vector_load %arg7[%parallel_loop3A_137] {strides = array<i32>} : memref<32768xf32, #tpu.memory_space<vmem>>, vector<16xf32>,
        %parallel_loop3A_139 = vector.shape_cast %parallel_loop3A_138 : vector<16xf32> to vector<16xf32>
        %parallel_loop3A_140 = arith.index_cast %rem3A_76 : i32 to index
        %parallel_loop3A_141 = arith.index_cast %parallel_loop3A_131 : i32 to index
        %parallel_loop3A_142 = arith.constant 0 : index
        %parallel_loop3A_143 = tpu.vector_load %arg8[%parallel_loop3A_140, %parallel_loop3A_141, %parallel_loop3A_142] {strides = array<i32>} : memref<3x64x256xf32, #tpu.memory_space<vmem>>, vector<1x1x16xf32>,
        %parallel_loop3A_144 = vector.shape_cast %parallel_loop3A_143 : vector<1x1x16xf32> to vector<16xf32>
        %parallel_loop3A_145 = arith.mulf %parallel_loop3A_139, %parallel_loop3A_144 : vector<16xf32>
        %parallel_loop3A_146 = arith.constant 0 : i32
        %parallel_loop3A_147 = arith.addi %parallel_loop3A_134, %parallel_loop3A_146 : i32
        %parallel_loop3A_148 = arith.index_cast %parallel_loop3A_147 : i32 to index
        %parallel_loop3A_149 = tpu.vector_load %arg9[%parallel_loop3A_148] {strides = array<i32>} : memref<32768xf32, #tpu.memory_space<vmem>>, vector<16xf32>,
        %parallel_loop3A_150 = vector.shape_cast %parallel_loop3A_149 : vector<16xf32> to vector<16xf32>
        %parallel_loop3A_151 = vector.shape_cast %parallel_loop3A_145 : vector<16xf32> to vector<16xf32>
        tpu.vector_store %arg9[%parallel_loop3A_148], %parallel_loop3A_151 {strides = array<i32>} : memref<32768xf32, #tpu.memory_space<vmem>>, vector<16xf32>,
        %parallel_loop3A_152 = arith.constant 16 : i32
        %parallel_loop3A_153 = arith.addi %parallel_loop3A_134, %parallel_loop3A_152 : i32
        %parallel_loop3A_154 = arith.index_cast %parallel_loop3A_153 : i32 to index
        %parallel_loop3A_155 = tpu.vector_load %arg7[%parallel_loop3A_154] {strides = array<i32>} : memref<32768xf32, #tpu.memory_space<vmem>>, vector<16xf32>,
        %parallel_loop3A_156 = vector.shape_cast %parallel_loop3A_155 : vector<16xf32> to vector<16xf32>
        %parallel_loop3A_157 = arith.index_cast %rem3A_76 : i32 to index
        %parallel_loop3A_158 = arith.index_cast %parallel_loop3A_131 : i32 to index
        %parallel_loop3A_159 = arith.constant 16 : index
        %parallel_loop3A_160 = tpu.vector_load %arg8[%parallel_loop3A_157, %parallel_loop3A_158, %parallel_loop3A_159] {strides = array<i32>} : memref<3x64x256xf32, #tpu.memory_space<vmem>>, vector<1x1x16xf32>,
        %parallel_loop3A_161 = vector.shape_cast %parallel_loop3A_160 : vector<1x1x16xf32> to vector<16xf32>
        %parallel_loop3A_162 = arith.mulf %parallel_loop3A_156, %parallel_loop3A_161 : vector<16xf32>
        %parallel_loop3A_163 = arith.constant 16 : i32
        %parallel_loop3A_164 = arith.addi %parallel_loop3A_134, %parallel_loop3A_163 : i32
        %parallel_loop3A_165 = arith.index_cast %parallel_loop3A_164 : i32 to index
        %parallel_loop3A_166 = tpu.vector_load %arg9[%parallel_loop3A_165] {strides = array<i32>} : memref<32768xf32, #tpu.memory_space<vmem>>, vector<16xf32>,
        %parallel_loop3A_167 = vector.shape_cast %parallel_loop3A_166 : vector<16xf32> to vector<16xf32>
        %parallel_loop3A_168 = vector.shape_cast %parallel_loop3A_162 : vector<16xf32> to vector<16xf32>
        tpu.vector_store %arg9[%parallel_loop3A_165], %parallel_loop3A_168 {strides = array<i32>} : memref<32768xf32, #tpu.memory_space<vmem>>, vector<16xf32>,
        %parallel_loop3A_169 = arith.constant 32 : i32
        %parallel_loop3A_170 = arith.addi %parallel_loop3A_134, %parallel_loop3A_169 : i32
        %parallel_loop3A_171 = arith.index_cast %parallel_loop3A_170 : i32 to index
        %parallel_loop3A_172 = tpu.vector_load %arg7[%parallel_loop3A_171] {strides = array<i32>} : memref<32768xf32, #tpu.memory_space<vmem>>, vector<16xf32>,
        %parallel_loop3A_173 = vector.shape_cast %parallel_loop3A_172 : vector<16xf32> to vector<16xf32>
        %parallel_loop3A_174 = arith.index_cast %rem3A_76 : i32 to index
        %parallel_loop3A_175 = arith.index_cast %parallel_loop3A_131 : i32 to index
        %parallel_loop3A_176 = arith.constant 32 : index
        %parallel_loop3A_177 = tpu.vector_load %arg8[%parallel_loop3A_174, %parallel_loop3A_175, %parallel_loop3A_176] {strides = array<i32>} : memref<3x64x256xf32, #tpu.memory_space<vmem>>, vector<1x1x16xf32>,
        %parallel_loop3A_178 = vector.shape_cast %parallel_loop3A_177 : vector<1x1x16xf32> to vector<16xf32>
        %parallel_loop3A_179 = arith.mulf %parallel_loop3A_173, %parallel_loop3A_178 : vector<16xf32>
        %parallel_loop3A_180 = arith.constant 32 : i32
        %parallel_loop3A_181 = arith.addi %parallel_loop3A_134, %parallel_loop3A_180 : i32
        %parallel_loop3A_182 = arith.index_cast %parallel_loop3A_181 : i32 to index
        %parallel_loop3A_183 = tpu.vector_load %arg9[%parallel_loop3A_182] {strides = array<i32>} : memref<32768xf32, #tpu.memory_space<vmem>>, vector<16xf32>,
        %parallel_loop3A_184 = vector.shape_cast %parallel_loop3A_183 : vector<16xf32> to vector<16xf32>
        %parallel_loop3A_185 = vector.shape_cast %parallel_loop3A_179 : vector<16xf32> to vector<16xf32>
        tpu.vector_store %arg9[%parallel_loop3A_182], %parallel_loop3A_185 {strides = array<i32>} : memref<32768xf32, #tpu.memory_space<vmem>>, vector<16xf32>,
        %parallel_loop3A_186 = arith.constant 48 : i32
        %parallel_loop3A_187 = arith.addi %parallel_loop3A_134, %parallel_loop3A_186 : i32
        %parallel_loop3A_188 = arith.index_cast %parallel_loop3A_187 : i32 to index
        %parallel_loop3A_189 = tpu.vector_load %arg7[%parallel_loop3A_188] {strides = array<i32>} : memref<32768xf32, #tpu.memory_space<vmem>>, vector<16xf32>,
        %parallel_loop3A_190 = vector.shape_cast %parallel_loop3A_189 : vector<16xf32> to vector<16xf32>
        %parallel_loop3A_191 = arith.index_cast %rem3A_76 : i32 to index
        %parallel_loop3A_192 = arith.index_cast %parallel_loop3A_131 : i32 to index
        %parallel_loop3A_193 = arith.constant 48 : index
        %parallel_loop3A_194 = tpu.vector_load %arg8[%parallel_loop3A_191, %parallel_loop3A_192, %parallel_loop3A_193] {strides = array<i32>} : memref<3x64x256xf32, #tpu.memory_space<vmem>>, vector<1x1x16xf32>,
        %parallel_loop3A_195 = vector.shape_cast %parallel_loop3A_194 : vector<1x1x16xf32> to vector<16xf32>
        %parallel_loop3A_196 = arith.mulf %parallel_loop3A_190, %parallel_loop3A_195 : vector<16xf32>
        %parallel_loop3A_197 = arith.constant 48 : i32
        %parallel_loop3A_198 = arith.addi %parallel_loop3A_134, %parallel_loop3A_197 : i32
        %parallel_loop3A_199 = arith.index_cast %parallel_loop3A_198 : i32 to index
        %parallel_loop3A_200 = tpu.vector_load %arg9[%parallel_loop3A_199] {strides = array<i32>} : memref<32768xf32, #tpu.memory_space<vmem>>, vector<16xf32>,
        %parallel_loop3A_201 = vector.shape_cast %parallel_loop3A_200 : vector<16xf32> to vector<16xf32>
        %parallel_loop3A_202 = vector.shape_cast %parallel_loop3A_196 : vector<16xf32> to vector<16xf32>
        tpu.vector_store %arg9[%parallel_loop3A_199], %parallel_loop3A_202 {strides = array<i32>} : memref<32768xf32, #tpu.memory_space<vmem>>, vector<16xf32>,
        %parallel_loop3A_203 = arith.constant 64 : i32
        %parallel_loop3A_204 = arith.addi %parallel_loop3A_134, %parallel_loop3A_203 : i32
        %parallel_loop3A_205 = arith.index_cast %parallel_loop3A_204 : i32 to index
        %parallel_loop3A_206 = tpu.vector_load %arg7[%parallel_loop3A_205] {strides = array<i32>} : memref<32768xf32, #tpu.memory_space<vmem>>, vector<16xf32>,
        %parallel_loop3A_207 = vector.shape_cast %parallel_loop3A_206 : vector<16xf32> to vector<16xf32>
        %parallel_loop3A_208 = arith.index_cast %rem3A_76 : i32 to index
        %parallel_loop3A_209 = arith.index_cast %parallel_loop3A_131 : i32 to index
        %parallel_loop3A_210 = arith.constant 64 : index
        %parallel_loop3A_211 = tpu.vector_load %arg8[%parallel_loop3A_208, %parallel_loop3A_209, %parallel_loop3A_210] {strides = array<i32>} : memref<3x64x256xf32, #tpu.memory_space<vmem>>, vector<1x1x16xf32>,
        %parallel_loop3A_212 = vector.shape_cast %parallel_loop3A_211 : vector<1x1x16xf32> to vector<16xf32>
        %parallel_loop3A_213 = arith.mulf %parallel_loop3A_207, %parallel_loop3A_212 : vector<16xf32>
        %parallel_loop3A_214 = arith.constant 64 : i32
        %parallel_loop3A_215 = arith.addi %parallel_loop3A_134, %parallel_loop3A_214 : i32
        %parallel_loop3A_216 = arith.index_cast %parallel_loop3A_215 : i32 to index
        %parallel_loop3A_217 = tpu.vector_load %arg9[%parallel_loop3A_216] {strides = array<i32>} : memref<32768xf32, #tpu.memory_space<vmem>>, vector<16xf32>,
        %parallel_loop3A_218 = vector.shape_cast %parallel_loop3A_217 : vector<16xf32> to vector<16xf32>
        %parallel_loop3A_219 = vector.shape_cast %parallel_loop3A_213 : vector<16xf32> to vector<16xf32>
        tpu.vector_store %arg9[%parallel_loop3A_216], %parallel_loop3A_219 {strides = array<i32>} : memref<32768xf32, #tpu.memory_space<vmem>>, vector<16xf32>,
        %parallel_loop3A_220 = arith.constant 80 : i32
        %parallel_loop3A_221 = arith.addi %parallel_loop3A_134, %parallel_loop3A_220 : i32
        %parallel_loop3A_222 = arith.index_cast %parallel_loop3A_221 : i32 to index
        %parallel_loop3A_223 = tpu.vector_load %arg7[%parallel_loop3A_222] {strides = array<i32>} : memref<32768xf32, #tpu.memory_space<vmem>>, vector<16xf32>,
        %parallel_loop3A_224 = vector.shape_cast %parallel_loop3A_223 : vector<16xf32> to vector<16xf32>
        %parallel_loop3A_225 = arith.index_cast %rem3A_76 : i32 to index
        %parallel_loop3A_226 = arith.index_cast %parallel_loop3A_131 : i32 to index
        %parallel_loop3A_227 = arith.constant 80 : index
        %parallel_loop3A_228 = tpu.vector_load %arg8[%parallel_loop3A_225, %parallel_loop3A_226, %parallel_loop3A_227] {strides = array<i32>} : memref<3x64x256xf32, #tpu.memory_space<vmem>>, vector<1x1x16xf32>,
        %parallel_loop3A_229 = vector.shape_cast %parallel_loop3A_228 : vector<1x1x16xf32> to vector<16xf32>
        %parallel_loop3A_230 = arith.mulf %parallel_loop3A_224, %parallel_loop3A_229 : vector<16xf32>
        %parallel_loop3A_231 = arith.constant 80 : i32
        %parallel_loop3A_232 = arith.addi %parallel_loop3A_134, %parallel_loop3A_231 : i32
        %parallel_loop3A_233 = arith.index_cast %parallel_loop3A_232 : i32 to index
        %parallel_loop3A_234 = tpu.vector_load %arg9[%parallel_loop3A_233] {strides = array<i32>} : memref<32768xf32, #tpu.memory_space<vmem>>, vector<16xf32>,
        %parallel_loop3A_235 = vector.shape_cast %parallel_loop3A_234 : vector<16xf32> to vector<16xf32>
        %parallel_loop3A_236 = vector.shape_cast %parallel_loop3A_230 : vector<16xf32> to vector<16xf32>
        tpu.vector_store %arg9[%parallel_loop3A_233], %parallel_loop3A_236 {strides = array<i32>} : memref<32768xf32, #tpu.memory_space<vmem>>, vector<16xf32>,
        %parallel_loop3A_237 = arith.constant 96 : i32
        %parallel_loop3A_238 = arith.addi %parallel_loop3A_134, %parallel_loop3A_237 : i32
        %parallel_loop3A_239 = arith.index_cast %parallel_loop3A_238 : i32 to index
        %parallel_loop3A_240 = tpu.vector_load %arg7[%parallel_loop3A_239] {strides = array<i32>} : memref<32768xf32, #tpu.memory_space<vmem>>, vector<16xf32>,
        %parallel_loop3A_241 = vector.shape_cast %parallel_loop3A_240 : vector<16xf32> to vector<16xf32>
        %parallel_loop3A_242 = arith.index_cast %rem3A_76 : i32 to index
        %parallel_loop3A_243 = arith.index_cast %parallel_loop3A_131 : i32 to index
        %parallel_loop3A_244 = arith.constant 96 : index
        %parallel_loop3A_245 = tpu.vector_load %arg8[%parallel_loop3A_242, %parallel_loop3A_243, %parallel_loop3A_244] {strides = array<i32>} : memref<3x64x256xf32, #tpu.memory_space<vmem>>, vector<1x1x16xf32>,
        %parallel_loop3A_246 = vector.shape_cast %parallel_loop3A_245 : vector<1x1x16xf32> to vector<16xf32>
        %parallel_loop3A_247 = arith.mulf %parallel_loop3A_241, %parallel_loop3A_246 : vector<16xf32>
        %parallel_loop3A_248 = arith.constant 96 : i32
        %parallel_loop3A_249 = arith.addi %parallel_loop3A_134, %parallel_loop3A_248 : i32
        %parallel_loop3A_250 = arith.index_cast %parallel_loop3A_249 : i32 to index
        %parallel_loop3A_251 = tpu.vector_load %arg9[%parallel_loop3A_250] {strides = array<i32>} : memref<32768xf32, #tpu.memory_space<vmem>>, vector<16xf32>,
        %parallel_loop3A_252 = vector.shape_cast %parallel_loop3A_251 : vector<16xf32> to vector<16xf32>
        %parallel_loop3A_253 = vector.shape_cast %parallel_loop3A_247 : vector<16xf32> to vector<16xf32>
        tpu.vector_store %arg9[%parallel_loop3A_250], %parallel_loop3A_253 {strides = array<i32>} : memref<32768xf32, #tpu.memory_space<vmem>>, vector<16xf32>,
        %parallel_loop3A_254 = arith.constant 112 : i32
        %parallel_loop3A_255 = arith.addi %parallel_loop3A_134, %parallel_loop3A_254 : i32
        %parallel_loop3A_256 = arith.index_cast %parallel_loop3A_255 : i32 to index
        %parallel_loop3A_257 = tpu.vector_load %arg7[%parallel_loop3A_256] {strides = array<i32>} : memref<32768xf32, #tpu.memory_space<vmem>>, vector<16xf32>,
        %parallel_loop3A_258 = vector.shape_cast %parallel_loop3A_257 : vector<16xf32> to vector<16xf32>
        %parallel_loop3A_259 = arith.index_cast %rem3A_76 : i32 to index
        %parallel_loop3A_260 = arith.index_cast %parallel_loop3A_131 : i32 to index
        %parallel_loop3A_261 = arith.constant 112 : index
        %parallel_loop3A_262 = tpu.vector_load %arg8[%parallel_loop3A_259, %parallel_loop3A_260, %parallel_loop3A_261] {strides = array<i32>} : memref<3x64x256xf32, #tpu.memory_space<vmem>>, vector<1x1x16xf32>,
        %parallel_loop3A_263 = vector.shape_cast %parallel_loop3A_262 : vector<1x1x16xf32> to vector<16xf32>
        %parallel_loop3A_264 = arith.mulf %parallel_loop3A_258, %parallel_loop3A_263 : vector<16xf32>
        %parallel_loop3A_265 = arith.constant 112 : i32
        %parallel_loop3A_266 = arith.addi %parallel_loop3A_134, %parallel_loop3A_265 : i32
        %parallel_loop3A_267 = arith.index_cast %parallel_loop3A_266 : i32 to index
        %parallel_loop3A_268 = tpu.vector_load %arg9[%parallel_loop3A_267] {strides = array<i32>} : memref<32768xf32, #tpu.memory_space<vmem>>, vector<16xf32>,
        %parallel_loop3A_269 = vector.shape_cast %parallel_loop3A_268 : vector<16xf32> to vector<16xf32>
        %parallel_loop3A_270 = vector.shape_cast %parallel_loop3A_264 : vector<16xf32> to vector<16xf32>
        tpu.vector_store %arg9[%parallel_loop3A_267], %parallel_loop3A_270 {strides = array<i32>} : memref<32768xf32, #tpu.memory_space<vmem>>, vector<16xf32>,
        %parallel_loop3A_271 = arith.constant 128 : i32
        %parallel_loop3A_272 = arith.addi %parallel_loop3A_134, %parallel_loop3A_271 : i32
        %parallel_loop3A_273 = arith.index_cast %parallel_loop3A_272 : i32 to index
        %parallel_loop3A_274 = tpu.vector_load %arg7[%parallel_loop3A_273] {strides = array<i32>} : memref<32768xf32, #tpu.memory_space<vmem>>, vector<16xf32>,
        %parallel_loop3A_275 = vector.shape_cast %parallel_loop3A_274 : vector<16xf32> to vector<16xf32>
        %parallel_loop3A_276 = arith.index_cast %rem3A_76 : i32 to index
        %parallel_loop3A_277 = arith.index_cast %parallel_loop3A_131 : i32 to index
        %parallel_loop3A_278 = arith.constant 128 : index
        %parallel_loop3A_279 = tpu.vector_load %arg8[%parallel_loop3A_276, %parallel_loop3A_277, %parallel_loop3A_278] {strides = array<i32>} : memref<3x64x256xf32, #tpu.memory_space<vmem>>, vector<1x1x16xf32>,
        %parallel_loop3A_280 = vector.shape_cast %parallel_loop3A_279 : vector<1x1x16xf32> to vector<16xf32>
        %parallel_loop3A_281 = arith.mulf %parallel_loop3A_275, %parallel_loop3A_280 : vector<16xf32>
        %parallel_loop3A_282 = arith.constant 128 : i32
        %parallel_loop3A_283 = arith.addi %parallel_loop3A_134, %parallel_loop3A_282 : i32
        %parallel_loop3A_284 = arith.index_cast %parallel_loop3A_283 : i32 to index
        %parallel_loop3A_285 = tpu.vector_load %arg9[%parallel_loop3A_284] {strides = array<i32>} : memref<32768xf32, #tpu.memory_space<vmem>>, vector<16xf32>,
        %parallel_loop3A_286 = vector.shape_cast %parallel_loop3A_285 : vector<16xf32> to vector<16xf32>
        %parallel_loop3A_287 = vector.shape_cast %parallel_loop3A_281 : vector<16xf32> to vector<16xf32>
        tpu.vector_store %arg9[%parallel_loop3A_284], %parallel_loop3A_287 {strides = array<i32>} : memref<32768xf32, #tpu.memory_space<vmem>>, vector<16xf32>,
        %parallel_loop3A_288 = arith.constant 144 : i32
        %parallel_loop3A_289 = arith.addi %parallel_loop3A_134, %parallel_loop3A_288 : i32
        %parallel_loop3A_290 = arith.index_cast %parallel_loop3A_289 : i32 to index
        %parallel_loop3A_291 = tpu.vector_load %arg7[%parallel_loop3A_290] {strides = array<i32>} : memref<32768xf32, #tpu.memory_space<vmem>>, vector<16xf32>,
        %parallel_loop3A_292 = vector.shape_cast %parallel_loop3A_291 : vector<16xf32> to vector<16xf32>
        %parallel_loop3A_293 = arith.index_cast %rem3A_76 : i32 to index
        %parallel_loop3A_294 = arith.index_cast %parallel_loop3A_131 : i32 to index
        %parallel_loop3A_295 = arith.constant 144 : index
        %parallel_loop3A_296 = tpu.vector_load %arg8[%parallel_loop3A_293, %parallel_loop3A_294, %parallel_loop3A_295] {strides = array<i32>} : memref<3x64x256xf32, #tpu.memory_space<vmem>>, vector<1x1x16xf32>,
        %parallel_loop3A_297 = vector.shape_cast %parallel_loop3A_296 : vector<1x1x16xf32> to vector<16xf32>
        %parallel_loop3A_298 = arith.mulf %parallel_loop3A_292, %parallel_loop3A_297 : vector<16xf32>
        %parallel_loop3A_299 = arith.constant 144 : i32
        %parallel_loop3A_300 = arith.addi %parallel_loop3A_134, %parallel_loop3A_299 : i32
        %parallel_loop3A_301 = arith.index_cast %parallel_loop3A_300 : i32 to index
        %parallel_loop3A_302 = tpu.vector_load %arg9[%parallel_loop3A_301] {strides = array<i32>} : memref<32768xf32, #tpu.memory_space<vmem>>, vector<16xf32>,
        %parallel_loop3A_303 = vector.shape_cast %parallel_loop3A_302 : vector<16xf32> to vector<16xf32>
        %parallel_loop3A_304 = vector.shape_cast %parallel_loop3A_298 : vector<16xf32> to vector<16xf32>
        tpu.vector_store %arg9[%parallel_loop3A_301], %parallel_loop3A_304 {strides = array<i32>} : memref<32768xf32, #tpu.memory_space<vmem>>, vector<16xf32>,
        %parallel_loop3A_305 = arith.constant 160 : i32
        %parallel_loop3A_306 = arith.addi %parallel_loop3A_134, %parallel_loop3A_305 : i32
        %parallel_loop3A_307 = arith.index_cast %parallel_loop3A_306 : i32 to index
        %parallel_loop3A_308 = tpu.vector_load %arg7[%parallel_loop3A_307] {strides = array<i32>} : memref<32768xf32, #tpu.memory_space<vmem>>, vector<16xf32>,
        %parallel_loop3A_309 = vector.shape_cast %parallel_loop3A_308 : vector<16xf32> to vector<16xf32>
        %parallel_loop3A_310 = arith.index_cast %rem3A_76 : i32 to index
        %parallel_loop3A_311 = arith.index_cast %parallel_loop3A_131 : i32 to index
        %parallel_loop3A_312 = arith.constant 160 : index
        %parallel_loop3A_313 = tpu.vector_load %arg8[%parallel_loop3A_310, %parallel_loop3A_311, %parallel_loop3A_312] {strides = array<i32>} : memref<3x64x256xf32, #tpu.memory_space<vmem>>, vector<1x1x16xf32>,
        %parallel_loop3A_314 = vector.shape_cast %parallel_loop3A_313 : vector<1x1x16xf32> to vector<16xf32>
        %parallel_loop3A_315 = arith.mulf %parallel_loop3A_309, %parallel_loop3A_314 : vector<16xf32>
        %parallel_loop3A_316 = arith.constant 160 : i32
        %parallel_loop3A_317 = arith.addi %parallel_loop3A_134, %parallel_loop3A_316 : i32
        %parallel_loop3A_318 = arith.index_cast %parallel_loop3A_317 : i32 to index
        %parallel_loop3A_319 = tpu.vector_load %arg9[%parallel_loop3A_318] {strides = array<i32>} : memref<32768xf32, #tpu.memory_space<vmem>>, vector<16xf32>,
        %parallel_loop3A_320 = vector.shape_cast %parallel_loop3A_319 : vector<16xf32> to vector<16xf32>
        %parallel_loop3A_321 = vector.shape_cast %parallel_loop3A_315 : vector<16xf32> to vector<16xf32>
        tpu.vector_store %arg9[%parallel_loop3A_318], %parallel_loop3A_321 {strides = array<i32>} : memref<32768xf32, #tpu.memory_space<vmem>>, vector<16xf32>,
        %parallel_loop3A_322 = arith.constant 176 : i32
        %parallel_loop3A_323 = arith.addi %parallel_loop3A_134, %parallel_loop3A_322 : i32
        %parallel_loop3A_324 = arith.index_cast %parallel_loop3A_323 : i32 to index
        %parallel_loop3A_325 = tpu.vector_load %arg7[%parallel_loop3A_324] {strides = array<i32>} : memref<32768xf32, #tpu.memory_space<vmem>>, vector<16xf32>,
        %parallel_loop3A_326 = vector.shape_cast %parallel_loop3A_325 : vector<16xf32> to vector<16xf32>
        %parallel_loop3A_327 = arith.index_cast %rem3A_76 : i32 to index
        %parallel_loop3A_328 = arith.index_cast %parallel_loop3A_131 : i32 to index
        %parallel_loop3A_329 = arith.constant 176 : index
        %parallel_loop3A_330 = tpu.vector_load %arg8[%parallel_loop3A_327, %parallel_loop3A_328, %parallel_loop3A_329] {strides = array<i32>} : memref<3x64x256xf32, #tpu.memory_space<vmem>>, vector<1x1x16xf32>,
        %parallel_loop3A_331 = vector.shape_cast %parallel_loop3A_330 : vector<1x1x16xf32> to vector<16xf32>
        %parallel_loop3A_332 = arith.mulf %parallel_loop3A_326, %parallel_loop3A_331 : vector<16xf32>
        %parallel_loop3A_333 = arith.constant 176 : i32
        %parallel_loop3A_334 = arith.addi %parallel_loop3A_134, %parallel_loop3A_333 : i32
        %parallel_loop3A_335 = arith.index_cast %parallel_loop3A_334 : i32 to index
        %parallel_loop3A_336 = tpu.vector_load %arg9[%parallel_loop3A_335] {strides = array<i32>} : memref<32768xf32, #tpu.memory_space<vmem>>, vector<16xf32>,
        %parallel_loop3A_337 = vector.shape_cast %parallel_loop3A_336 : vector<16xf32> to vector<16xf32>
        %parallel_loop3A_338 = vector.shape_cast %parallel_loop3A_332 : vector<16xf32> to vector<16xf32>
        tpu.vector_store %arg9[%parallel_loop3A_335], %parallel_loop3A_338 {strides = array<i32>} : memref<32768xf32, #tpu.memory_space<vmem>>, vector<16xf32>,
        %parallel_loop3A_339 = arith.constant 192 : i32
        %parallel_loop3A_340 = arith.addi %parallel_loop3A_134, %parallel_loop3A_339 : i32
        %parallel_loop3A_341 = arith.index_cast %parallel_loop3A_340 : i32 to index
        %parallel_loop3A_342 = tpu.vector_load %arg7[%parallel_loop3A_341] {strides = array<i32>} : memref<32768xf32, #tpu.memory_space<vmem>>, vector<16xf32>,
        %parallel_loop3A_343 = vector.shape_cast %parallel_loop3A_342 : vector<16xf32> to vector<16xf32>
        %parallel_loop3A_344 = arith.index_cast %rem3A_76 : i32 to index
        %parallel_loop3A_345 = arith.index_cast %parallel_loop3A_131 : i32 to index
        %parallel_loop3A_346 = arith.constant 192 : index
        %parallel_loop3A_347 = tpu.vector_load %arg8[%parallel_loop3A_344, %parallel_loop3A_345, %parallel_loop3A_346] {strides = array<i32>} : memref<3x64x256xf32, #tpu.memory_space<vmem>>, vector<1x1x16xf32>,
        %parallel_loop3A_348 = vector.shape_cast %parallel_loop3A_347 : vector<1x1x16xf32> to vector<16xf32>
        %parallel_loop3A_349 = arith.mulf %parallel_loop3A_343, %parallel_loop3A_348 : vector<16xf32>
        %parallel_loop3A_350 = arith.constant 192 : i32
        %parallel_loop3A_351 = arith.addi %parallel_loop3A_134, %parallel_loop3A_350 : i32
        %parallel_loop3A_352 = arith.index_cast %parallel_loop3A_351 : i32 to index
        %parallel_loop3A_353 = tpu.vector_load %arg9[%parallel_loop3A_352] {strides = array<i32>} : memref<32768xf32, #tpu.memory_space<vmem>>, vector<16xf32>,
        %parallel_loop3A_354 = vector.shape_cast %parallel_loop3A_353 : vector<16xf32> to vector<16xf32>
        %parallel_loop3A_355 = vector.shape_cast %parallel_loop3A_349 : vector<16xf32> to vector<16xf32>
        tpu.vector_store %arg9[%parallel_loop3A_352], %parallel_loop3A_355 {strides = array<i32>} : memref<32768xf32, #tpu.memory_space<vmem>>, vector<16xf32>,
        %parallel_loop3A_356 = arith.constant 208 : i32
        %parallel_loop3A_357 = arith.addi %parallel_loop3A_134, %parallel_loop3A_356 : i32
        %parallel_loop3A_358 = arith.index_cast %parallel_loop3A_357 : i32 to index
        %parallel_loop3A_359 = tpu.vector_load %arg7[%parallel_loop3A_358] {strides = array<i32>} : memref<32768xf32, #tpu.memory_space<vmem>>, vector<16xf32>,
        %parallel_loop3A_360 = vector.shape_cast %parallel_loop3A_359 : vector<16xf32> to vector<16xf32>
        %parallel_loop3A_361 = arith.index_cast %rem3A_76 : i32 to index
        %parallel_loop3A_362 = arith.index_cast %parallel_loop3A_131 : i32 to index
        %parallel_loop3A_363 = arith.constant 208 : index
        %parallel_loop3A_364 = tpu.vector_load %arg8[%parallel_loop3A_361, %parallel_loop3A_362, %parallel_loop3A_363] {strides = array<i32>} : memref<3x64x256xf32, #tpu.memory_space<vmem>>, vector<1x1x16xf32>,
        %parallel_loop3A_365 = vector.shape_cast %parallel_loop3A_364 : vector<1x1x16xf32> to vector<16xf32>
        %parallel_loop3A_366 = arith.mulf %parallel_loop3A_360, %parallel_loop3A_365 : vector<16xf32>
        %parallel_loop3A_367 = arith.constant 208 : i32
        %parallel_loop3A_368 = arith.addi %parallel_loop3A_134, %parallel_loop3A_367 : i32
        %parallel_loop3A_369 = arith.index_cast %parallel_loop3A_368 : i32 to index
        %parallel_loop3A_370 = tpu.vector_load %arg9[%parallel_loop3A_369] {strides = array<i32>} : memref<32768xf32, #tpu.memory_space<vmem>>, vector<16xf32>,
        %parallel_loop3A_371 = vector.shape_cast %parallel_loop3A_370 : vector<16xf32> to vector<16xf32>
        %parallel_loop3A_372 = vector.shape_cast %parallel_loop3A_366 : vector<16xf32> to vector<16xf32>
        tpu.vector_store %arg9[%parallel_loop3A_369], %parallel_loop3A_372 {strides = array<i32>} : memref<32768xf32, #tpu.memory_space<vmem>>, vector<16xf32>,
        %parallel_loop3A_373 = arith.constant 224 : i32
        %parallel_loop3A_374 = arith.addi %parallel_loop3A_134, %parallel_loop3A_373 : i32
        %parallel_loop3A_375 = arith.index_cast %parallel_loop3A_374 : i32 to index
        %parallel_loop3A_376 = tpu.vector_load %arg7[%parallel_loop3A_375] {strides = array<i32>} : memref<32768xf32, #tpu.memory_space<vmem>>, vector<16xf32>,
        %parallel_loop3A_377 = vector.shape_cast %parallel_loop3A_376 : vector<16xf32> to vector<16xf32>
        %parallel_loop3A_378 = arith.index_cast %rem3A_76 : i32 to index
        %parallel_loop3A_379 = arith.index_cast %parallel_loop3A_131 : i32 to index
        %parallel_loop3A_380 = arith.constant 224 : index
        %parallel_loop3A_381 = tpu.vector_load %arg8[%parallel_loop3A_378, %parallel_loop3A_379, %parallel_loop3A_380] {strides = array<i32>} : memref<3x64x256xf32, #tpu.memory_space<vmem>>, vector<1x1x16xf32>,
        %parallel_loop3A_382 = vector.shape_cast %parallel_loop3A_381 : vector<1x1x16xf32> to vector<16xf32>
        %parallel_loop3A_383 = arith.mulf %parallel_loop3A_377, %parallel_loop3A_382 : vector<16xf32>
        %parallel_loop3A_384 = arith.constant 224 : i32
        %parallel_loop3A_385 = arith.addi %parallel_loop3A_134, %parallel_loop3A_384 : i32
        %parallel_loop3A_386 = arith.index_cast %parallel_loop3A_385 : i32 to index
        %parallel_loop3A_387 = tpu.vector_load %arg9[%parallel_loop3A_386] {strides = array<i32>} : memref<32768xf32, #tpu.memory_space<vmem>>, vector<16xf32>,
        %parallel_loop3A_388 = vector.shape_cast %parallel_loop3A_387 : vector<16xf32> to vector<16xf32>
        %parallel_loop3A_389 = vector.shape_cast %parallel_loop3A_383 : vector<16xf32> to vector<16xf32>
        tpu.vector_store %arg9[%parallel_loop3A_386], %parallel_loop3A_389 {strides = array<i32>} : memref<32768xf32, #tpu.memory_space<vmem>>, vector<16xf32>,
        %parallel_loop3A_390 = arith.constant 240 : i32
        %parallel_loop3A_391 = arith.addi %parallel_loop3A_134, %parallel_loop3A_390 : i32
        %parallel_loop3A_392 = arith.index_cast %parallel_loop3A_391 : i32 to index
        %parallel_loop3A_393 = tpu.vector_load %arg7[%parallel_loop3A_392] {strides = array<i32>} : memref<32768xf32, #tpu.memory_space<vmem>>, vector<16xf32>,
        %parallel_loop3A_394 = vector.shape_cast %parallel_loop3A_393 : vector<16xf32> to vector<16xf32>
        %parallel_loop3A_395 = arith.index_cast %rem3A_76 : i32 to index
        %parallel_loop3A_396 = arith.index_cast %parallel_loop3A_131 : i32 to index
        %parallel_loop3A_397 = arith.constant 240 : index
        %parallel_loop3A_398 = tpu.vector_load %arg8[%parallel_loop3A_395, %parallel_loop3A_396, %parallel_loop3A_397] {strides = array<i32>} : memref<3x64x256xf32, #tpu.memory_space<vmem>>, vector<1x1x16xf32>,
        %parallel_loop3A_399 = vector.shape_cast %parallel_loop3A_398 : vector<1x1x16xf32> to vector<16xf32>
        %parallel_loop3A_400 = arith.mulf %parallel_loop3A_394, %parallel_loop3A_399 : vector<16xf32>
        %parallel_loop3A_401 = arith.constant 240 : i32
        %parallel_loop3A_402 = arith.addi %parallel_loop3A_134, %parallel_loop3A_401 : i32
        %parallel_loop3A_403 = arith.index_cast %parallel_loop3A_402 : i32 to index
        %parallel_loop3A_404 = tpu.vector_load %arg9[%parallel_loop3A_403] {strides = array<i32>} : memref<32768xf32, #tpu.memory_space<vmem>>, vector<16xf32>,
        %parallel_loop3A_405 = vector.shape_cast %parallel_loop3A_404 : vector<16xf32> to vector<16xf32>
        %parallel_loop3A_406 = vector.shape_cast %parallel_loop3A_400 : vector<16xf32> to vector<16xf32>
        tpu.vector_store %arg9[%parallel_loop3A_403], %parallel_loop3A_406 {strides = array<i32>} : memref<32768xf32, #tpu.memory_space<vmem>>, vector<16xf32>,
      } {sc.loop_unroll_factor = 2 : i64, sc.parallel_access}
      %mul3A_121 = arith.constant 64 : i32
      %mul3A_122 = arith.muli %while3A_71, %mul3A_121 : i32
      %add3A_123 = arith.addi %mul3A_4, %mul3A_122 : i32
      %mul3A_124 = arith.constant 256 : i32
      %mul3A_125 = arith.muli %add3A_123, %mul3A_124 : i32
      %dma_start3A_126 = tpu.memref_slice %arg9[%mul3A_117] : memref<32768xf32, #tpu.memory_space<vmem>> -> memref<16384xf32, #tpu.memory_space<vmem>>
      %dma_start3A_127 = tpu.memref_slice %arg5[%mul3A_125] : memref<51200000xf32, #tpu.memory_space<hbm>> -> memref<16384xf32, #tpu.memory_space<hbm>>
      %dma_start3A_128 = tpu.memref_slice %arg5[%mul3A_125] : memref<51200000xf32, #tpu.memory_space<hbm>> -> memref<16384xf32, #tpu.memory_space<hbm>>
      %dma_start3A_129 = tpu.memref_slice %arg9[%mul3A_117] : memref<32768xf32, #tpu.memory_space<vmem>> -> memref<16384xf32, #tpu.memory_space<vmem>>
      tpu.enqueue_dma source(%dma_start3A_129 : memref<16384xf32, #tpu.memory_space<vmem>>) target(%dma_start3A_128 : memref<16384xf32, #tpu.memory_space<hbm>>) target_semaphore(%arg15 : memref<!tpu.dma_semaphore, #tpu.memory_space<semaphore_mem>>)
      %while3A_130 = arith.constant 0 : i32
      scf.yield %while3A_130 : i32
    }
    %dma_wait3A = arith.constant 0 : i32
    %dma_wait3A_56 = tpu.memref_slice %arg9[%dma_wait3A] : memref<32768xf32, #tpu.memory_space<vmem>> -> memref<16384xf32, #tpu.memory_space<vmem>>
    %dma_wait3A_57 = arith.constant 0 : i32
    %dma_wait3A_58 = tpu.memref_slice %arg5[%dma_wait3A_57] : memref<51200000xf32, #tpu.memory_space<hbm>> -> memref<16384xf32, #tpu.memory_space<hbm>>
    %dma_wait3A_59 = arith.constant 0 : i32
    %dma_wait3A_60 = tpu.memref_slice %arg5[%dma_wait3A_59] : memref<51200000xf32, #tpu.memory_space<hbm>> -> memref<16384xf32, #tpu.memory_space<hbm>>
    %dma_wait3A_61 = arith.constant 0 : i32
    %dma_wait3A_62 = tpu.memref_slice %arg9[%dma_wait3A_61] : memref<32768xf32, #tpu.memory_space<vmem>> -> memref<16384xf32, #tpu.memory_space<vmem>>
    tpu.wait_dma2 semaphore(%arg15 : memref<!tpu.dma_semaphore, #tpu.memory_space<semaphore_mem>>) src(%dma_wait3A_62 : memref<16384xf32, #tpu.memory_space<vmem>>) dst(%dma_wait3A_60 : memref<16384xf32, #tpu.memory_space<hbm>>)
    %dma_wait3A_63 = arith.constant 16384 : i32
    %dma_wait3A_64 = tpu.memref_slice %arg9[%dma_wait3A_63] : memref<32768xf32, #tpu.memory_space<vmem>> -> memref<16384xf32, #tpu.memory_space<vmem>>
    %dma_wait3A_65 = arith.constant 0 : i32
    %dma_wait3A_66 = tpu.memref_slice %arg5[%dma_wait3A_65] : memref<51200000xf32, #tpu.memory_space<hbm>> -> memref<16384xf32, #tpu.memory_space<hbm>>
    %dma_wait3A_67 = arith.constant 0 : i32
    %dma_wait3A_68 = tpu.memref_slice %arg5[%dma_wait3A_67] : memref<51200000xf32, #tpu.memory_space<hbm>> -> memref<16384xf32, #tpu.memory_space<hbm>>
    %dma_wait3A_69 = arith.constant 16384 : i32
    %dma_wait3A_70 = tpu.memref_slice %arg9[%dma_wait3A_69] : memref<32768xf32, #tpu.memory_space<vmem>> -> memref<16384xf32, #tpu.memory_space<vmem>>
    tpu.wait_dma2 semaphore(%arg15 : memref<!tpu.dma_semaphore, #tpu.memory_space<semaphore_mem>>) src(%dma_wait3A_70 : memref<16384xf32, #tpu.memory_space<vmem>>) dst(%dma_wait3A_68 : memref<16384xf32, #tpu.memory_space<hbm>>)
    return
  }
}

module attributes {stable_mosaic.version = 14 : i64} {
  func.func @_softmax_body(%arg0: i32, %arg1: memref<32x256xf32, #tpu.memory_space<vmem>>, %arg2: memref<32x256xf32, #tpu.memory_space<vmem>>) attributes {dimension_semantics = [#tpu.dimension_semantics<arbitrary>], iteration_bounds = array<i64: 32>, scalar_prefetch = 0 : i64, scratch_operands = 0 : i64, tpu.core_type = #tpu.core_type<tc>, window_params = [{pipeline_mode = #tpu.pipeline_mode<synchronous>, transform_indices = @transform_0, window_bounds = array<i64: 32, 256>}, {transform_indices = @transform_1, window_bounds = array<i64: 32, 256>}]} {
    %get3A = arith.constant 0 : index
    %get3A_0 = arith.constant 0 : index
    %get3A_1 = vector.load %arg1[%get3A, %get3A_0] : memref<32x256xf32, #tpu.memory_space<vmem>>, vector<32x256xf32>
    %reduce_max3A = arith.constant dense<0xFF800000> : vector<32xf32>
    %reduce_max3A_2 = vector.multi_reduction <maximumf>, %get3A_1, %reduce_max3A [1] : vector<32x256xf32> to vector<32xf32>
    %broadcast_in_dim3A = vector.shape_cast %reduce_max3A_2 : vector<32xf32> to vector<32x1xf32>
    %sub3A = vector.broadcast %broadcast_in_dim3A : vector<32x1xf32> to vector<32x256xf32>
    %sub3A_3 = arith.subf %get3A_1, %sub3A : vector<32x256xf32>
    %exp3A = math.exp %sub3A_3 : vector<32x256xf32>
    %reduce_sum3A = arith.constant dense<0.000000e+00> : vector<32xf32>
    %reduce_sum3A_4 = vector.multi_reduction <add>, %exp3A, %reduce_sum3A [1] : vector<32x256xf32> to vector<32xf32>
    %broadcast_in_dim3A_5 = vector.shape_cast %reduce_sum3A_4 : vector<32xf32> to vector<32x1xf32>
    %div3A = vector.broadcast %broadcast_in_dim3A_5 : vector<32x1xf32> to vector<32x256xf32>
    %div3A_6 = arith.divf %exp3A, %div3A : vector<32x256xf32>
    %swap3A = arith.constant 0 : index
    %swap3A_7 = arith.constant 0 : index
    %swap3A_8 = vector.load %arg2[%swap3A, %swap3A_7] : memref<32x256xf32, #tpu.memory_space<vmem>>, vector<32x256xf32>
    tpu.vector_store %arg2[%swap3A, %swap3A_7], %div3A_6 {strides = array<i32>} : memref<32x256xf32, #tpu.memory_space<vmem>>, vector<32x256xf32>,
    return
  }
  func.func @transform_0(%arg0: i32) -> (i32, i32) {
    %c0_i32 = arith.constant 0 : i32
    %c0_i32_0 = arith.constant 0 : i32
    %c0_i32_1 = arith.constant 0 : i32
    return %c0_i32, %c0_i32_0 : i32, i32
  }
  func.func @transform_1(%arg0: i32) -> (i32, i32) {
    %c0_i32 = arith.constant 0 : i32
    %c0_i32_0 = arith.constant 0 : i32
    return %arg0, %c0_i32 : i32, i32
  }
}

</mosaic_0001>

<sc_bundles>
// kernel: kernel.4.cloned.1.call-start
scs
__scs_entry_jumppad:
0x0: {  	(pc) =	sbr.rel $0x88, $3  }
0x1: {  	(tag) =	ssettag $0x0;
	lr =	simm.s32 $0x1  }
0x2: {  	[smem:$0x3F9E] =	sst lr;
	_ =	strace $0xD0000000  }
0x3: {  	_ = 	snop  }
0x4: {  	_ = 	snop  }
0x5: {  	_ = 	snop  }
0x6: {  	_ = 	snop  }
0x7: {  	_ = 	snop  }
__scs_overlays_trampoline_lowered:
0x8: {  	[smem:$0x3FAD] =	sst s0  }
0x9: {  	[smem:$0x3FAE] =	sst s1  }
0xa: {  	[smem:$0x3FAF] =	sst s2  }
0xb: {  	[smem:$0x3FB0] =	sst s3  }
0xc: {  	[smem:$0x3FB1] =	sst s4  }
0xd: {  	[smem:$0x3FB2] =	sst s5  }
0xe: {  	[smem:$0x3FB3] =	sst s6  }
0xf: {  	[smem:$0x3FB4] =	sst s7  }
0x10: {  	[smem:$0x3FB5] =	sst s8  }
0x11: {  	[smem:$0x3FB6] =	sst s9;
	s0 =	simm.s32 @!p0 $0x0  }
0x12: {  	s1 =	sld [smem:$0x3F9C];
	s0 =	simm.s32 @p0 $0x1  }
0x13: {  	[smem:$0x3FB7] =	sst s0;
	s0 =	simm.s32 @!p1 $0x0  }
0x14: {  	s2 =	sld [smem:$0x3F9B];
	s0 =	simm.s32 @p1 $0x1  }
0x15: {  	[smem:$0x3FB8] =	sst s0;
	s0 =	simm.s32 @!p2 $0x0  }
0x16: {  	s3 =	sld [smem:$0x3FDB];
	s0 =	simm.s32 @p2 $0x1  }
0x17: {  	s4 =	simm.s32 $0x1BF5;
	[smem:$0x3FBA] =	sst s0  }
0x18: {  	s0 =	sld [smem:$0x3F9D];
	_ =	swait.ge [sflag:s4], $0x0  }
0x19: {  	s7 =	sld [smem:$0x3F9E]  }
0x1a: {  	s8 =	sadd.s32 $0xFFFFE003, lr  }
0x1b: {  	s9 =	sadd.s32 $0xFFFFFEF7, lr;
	s5 =	simm.s32 $0xFFFFFFFF;
	p2 =	slt.u32 s8, $0xFFFFF086  }
0x1c: {  	p1 =	slt.u32 s9, $0xF7A;
	s5 =	simm.s32 @!p2 $0x0  }
0x1d: {  	s5 =	simm.s32 @p1 $0x1;
	p0 =	seq.s32 s7, s2  }
0x1e: {  	s7 =	smul.u32 @!p0 $0xF7A, s2;
	p2 =	seq.s32 @!p0 s5, $0x0  }
0x1f: {  	s9 =	smul.u32 $0xF7A, s1;
	s8 =	simm.s32 @!p0 $0x1BF5;
	p2 =	por !p2, p0  }
0x20: {  	[sflag:s8] =	ssyncset.s32 @!p0 $0xFFFFF086;
	s6 =	sadd.s32 @!p0 s3, s7;
	s7 =	simm.s32 @!p0 $0x108  }
0x21: {  	s3 =	sadd.s32 s3, s9;
	s6 =	sadd.s32 @!p0 $0x88, s6;
	s7 =	simm.s32 @p2 $0x1082  }
0x22: {  	[simem:s7], [sflag:s8] =	dma.local @!p0 [hbm:s6], $0xF7A  }
0x23: {  	s9 =	sor.u32 $0xD0000000, s2;
	s6 =	simm.s32 $0x108;
	_ =	swait.ge @!p0 [sflag:s8], $0x0  }
0x24: {  	s3 =	sadd.s32 $0x88, s3;
	s6 =	simm.s32 @!p1 $0x1082;
	[sflag:s4] =	ssyncset.s32 $0xFFFFF086  }
0x25: {  	[simem:s6], [sflag:s4] =	dma.local [hbm:s3], $0xF7A  }
0x26: {  	[smem:$0x3F9E] =	sst s1;
	(tag) =	ssettag s2;
	_ =	strace s9  }
0x27: {  	s1 =	sld [smem:$0x3FAE]  }
0x28: {  	s2 =	sld [smem:$0x3FAF]  }
0x29: {  	s4 =	sld [smem:$0x3FB1]  }
0x2a: {  	p0 =	seq.s32 s5, $0x0;
	s5 =	sld [smem:$0x3FB2]  }
0x2b: {  	s6 =	sld [smem:$0x3FB3]  }
0x2c: {  	s7 =	sld [smem:$0x3FB4]  }
0x2d: {  	s3 =	simm.s32 $0x108;
	s8 =	sld [smem:$0x3FB5]  }
0x2e: {  	s3 =	simm.s32 @!p0 $0x1082;
	s9 =	sld [smem:$0x3FB6]  }
0x2f: {  	lr =	sadd.s32 s0, s3;
	s0 =	sld [smem:$0x3FAD]  }
0x30: {  	s3 =	sld [smem:$0x3FB0]  }
0x31: {  	[smem:$0x3FB9] =	sst s10  }
0x32: {  	s10 =	sld [smem:$0x3FB7];
	_ =	sdelay $0x3  }
0x33: {  	p0 =	seq.s32 s10, $0x1;
	s10 =	sld [smem:$0x3FB9];
	_ =	sdelay $0x3  }
0x34: {  	[smem:$0x3FB9] =	sst s10  }
0x35: {  	s10 =	sld [smem:$0x3FB8];
	_ =	sdelay $0x3  }
0x36: {  	p1 =	seq.s32 s10, $0x1;
	s10 =	sld [smem:$0x3FB9];
	_ =	sdelay $0x3  }
0x37: {  	[smem:$0x3FB9] =	sst s10  }
0x38: {  	s10 =	sld [smem:$0x3FBA]  }
0x39: {  	_ = 	snop;
	(pc) =	sbr.ind lr, $3  }
0x3a: {  	_ = 	snop  }
0x3b: {  	_ = 	snop  }
0x3c: {  	p2 =	seq.s32 s10, $0x1;
	s10 =	sld [smem:$0x3FB9]  }
0x3d: {  	_ =	shalt  }
0x3e: {  	_ =	shalt  }
0x3f: {  	_ =	shalt  }
0x40: {  	_ =	shalt  }
0x41: {  	_ =	shalt  }
0x42: {  	_ =	shalt  }
0x43: {  	_ =	shalt  }
0x44: {  	_ =	shalt  }
0x45: {  	_ =	shalt  }
0x46: {  	_ =	shalt  }
0x47: {  	_ =	shalt  }
0x48: {  	_ =	shalt  }
0x49: {  	_ =	shalt  }
0x4a: {  	_ =	shalt  }
0x4b: {  	_ =	shalt  }
0x4c: {  	_ =	shalt  }
0x4d: {  	_ =	shalt  }
0x4e: {  	_ =	shalt  }
0x4f: {  	_ =	shalt  }
0x50: {  	_ =	shalt  }
0x51: {  	_ =	shalt  }
0x52: {  	_ =	shalt  }
0x53: {  	_ =	shalt  }
0x54: {  	_ =	shalt  }
0x55: {  	_ =	shalt  }
0x56: {  	_ =	shalt  }
0x57: {  	_ =	shalt  }
0x58: {  	_ =	shalt  }
0x59: {  	_ =	shalt  }
0x5a: {  	_ =	shalt  }
0x5b: {  	_ =	shalt  }
0x5c: {  	_ =	shalt  }
0x5d: {  	_ =	shalt  }
0x5e: {  	_ =	shalt  }
0x5f: {  	_ =	shalt  }
0x60: {  	_ =	shalt  }
0x61: {  	_ =	shalt  }
0x62: {  	_ =	shalt  }
0x63: {  	_ =	shalt  }
0x64: {  	_ =	shalt  }
0x65: {  	_ =	shalt  }
0x66: {  	_ =	shalt  }
0x67: {  	_ =	shalt  }
0x68: {  	_ =	shalt  }
0x69: {  	_ =	shalt  }
0x6a: {  	_ =	shalt  }
0x6b: {  	_ =	shalt  }
0x6c: {  	_ =	shalt  }
0x6d: {  	_ =	shalt  }
0x6e: {  	_ =	shalt  }
0x6f: {  	_ =	shalt  }
0x70: {  	_ =	shalt  }
0x71: {  	_ =	shalt  }
0x72: {  	_ =	shalt  }
0x73: {  	_ =	shalt  }
0x74: {  	_ =	shalt  }
0x75: {  	_ =	shalt  }
0x76: {  	_ =	shalt  }
0x77: {  	_ =	shalt  }
0x78: {  	_ =	shalt  }
0x79: {  	_ =	shalt  }
0x7a: {  	_ =	shalt  }
0x7b: {  	_ =	shalt  }
0x7c: {  	_ =	shalt  }
0x7d: {  	_ =	shalt  }
0x7e: {  	_ =	shalt  }
0x7f: {  	_ =	shalt  }
0x80: {  	_ =	shalt  }
0x81: {  	_ =	shalt  }
0x82: {  	_ =	shalt  }
0x83: {  	_ =	shalt  }
0x84: {  	_ =	shalt  }
0x85: {  	_ =	shalt  }
0x86: {  	_ =	shalt  }
0x87: {  	_ =	shalt  }
.Lfunc_end0:
.L_simem_size_0:
called_computation.1_lowered:
.L_overlay_start_0:
0x88: {  	s2 =	sld [smem:$0x3FD9]  }
0x89: {  	s3 =	sld [smem:$0x3FFE];
	_ =	sdelay $0x1  }
0x8a: {  	s1 =	srdreg.scid  }
0x8b: {  	s0 =	sand.u32 $0x1, s1  }
0x8c: {  	s17 =	sshll.u32 s0, $0xA;
	s2 =	sadd.s32 s3, s2  }
0x8d: {  	s2 =	sadd.s32 s2, s17  }
0x8e: {  	[smem:$0x3FC5] =	sst s2  }
0x8f: {  	_ = 	snop  }
0x90: {  	s2 =	sld [smem:$0x3FC8]  }
0x91: {  	s18 =	sld [smem:$0x3FD0];
	(tm) =	ssettm $0x1  }
0x92: {  	s4 =	sld [smem:$0x3FFB];
	_ =	sdelay $0x3  }
0x93: {  	_ =	strace s4  }
0x94: {  	s4 =	sld [smem:$0x3FFC];
	_ =	sdelay $0x3  }
0x95: {  	_ =	strace s4  }
0x96: {  	s4 =	sld [smem:$0x3FFD];
	_ =	sdelay $0x3  }
0x97: {  	_ =	strace s4  }
0x98: {  	_ =	strace $0x8FFFFFFF  }
0x99: {  	s19 =	sld [smem:$0x3FDB];
	_ =	sdelay $0x1  }
0x9a: {  	s5 =	simm.s32 $_scs_section_size  }
0x9b: {  	s6 =	simm.s32 $_size__tile_overlayer_lowered;
	s7 =	simm.s32 $_tile_overlayer_lowered  }
0x9c: {  	s22 =	simm.s32 $0x1BFF;
	s21 =	sshll.u32 s7, $0x1;
	s4 =	sadd.s32 s5, s19  }
0x9d: {  	s8 =	simm.s32 $0x0;
	s20 =	sshll.u32 s6, $0x1;
	s6 =	sadd.s32 s21, s4  }
0x9e: {  	[timem:s8], [sflag:s22] =	dma.local [hbm:s6], s20  }
0x9f: {  	_ =	swait.ge [sflag:s22], s20  }
0xa0: {  	s5 =	ssub.s32 $0x0, s20;
	[sflag:s22] =	ssyncset.done $0x0  }
0xa1: {  	[sflag:s22] =	ssyncadd.s32 s5;
	_ =	sdelay $0x1  }
0xa2: {  	s23 =	simm.s32 $0x1B8B  }
0xa3: {  	_ =	swait.ge [sflag:s23], $0x1  }
0xa4: {  	[sflag:s23] =	ssyncset.done $0x0  }
0xa5: {  	s25 =	simm.s32 $0x1B8E;
	s24 =	sld [smem:$0x3FFE];
	[sflag:s23] =	ssyncadd.s32 $0xFFFFFFFF  }
0xa6: {  	s26 =	simm.s32 $execute0_lowered;
	[smem:$0x3FD2] =	sst s25  }
0xa7: {  	s6 =	sshll.u32 s26, $0x1;
	_ =	strace $0x80000049;
	[dreg:$0x1] =	wrdreg $0xFFFFFFFF  }
0xa8: {  	s28 =	simm.s32 $_size_execute0_lowered;
	s4 =	sadd.s32 s4, s6;
	[dreg:$0x0] =	wrdreg $0x0  }
0xa9: {  	s6 =	sshll.u32 s28, $0x1;
	[dreg:$0x2] =	wrdreg s4  }
0xaa: {  	[dreg:$0x3] =	wrdreg s6  }
0xab: {  	[dreg:$0x4] =	wrdreg $0xC0  }
0xac: {  	_ =	task [dreg:s8], $0x5FFFF  }
0xad: {  	[dreg:$0x1] =	wrdreg $0xFFFFFFFF  }
0xae: {  	[dreg:$0x0] =	wrdreg $0x60  }
0xaf: {  	[dreg:$0x2] =	wrdreg s18  }
0xb0: {  	[dreg:$0x3] =	wrdreg s2  }
0xb1: {  	[dreg:$0x4] =	wrdreg s24  }
0xb2: {  	[dreg:$0x5] =	wrdreg $0x9  }
0xb3: {  	_ =	task.clear_ibuf [dreg:s8], $0x6FFFF;
	_ =	strace $0x90000049  }
0xb4: {  	s29 =	simm.s32 $0x9;
	_ =	strace $0x8000004B  }
0xb5: {  	_ =	swait.ge [sflag:s29], $0x1  }
0xb6: {  	[sflag:s29] =	ssyncadd.s32 $0xFFFFFFFF  }
0xb7: {  	_ =	strace $0x9000004B  }
0xb8: {  	_ =	sfence  }
0xb9: {  	s30 =	sld [smem:$0x0];
	_ =	sdelay $0x2  }
0xba: {  	s31 =	sshll.u32 s1, $0xD;
	s1 =	sshrl.u32 s1, $0x2  }
0xbb: {  	s3 =	sand.u32 $0x4000, s31;
	s1 =	sadd.s32 s1, s30  }
0xbc: {  	s0 =	sor.u32 s3, s0;
	s1 =	sshll.u32 s1, $0x11  }
0xbd: {  	s0 =	sor.u32 s1, s0  }
0xbe: {  	s0 =	sadd.s32 $0x8F2B, s0  }
0xbf: {  	[sflag:s0] =	ssyncadd.remote.s32 $0x1  }
0xc0: {  	_ =	sfence.sel $0xFFFF  }
0xc1: {  	[dreg:$0x0] =	wrdreg $0xFFFFFFFF;
	(pc) =	sbr.abs _section_cstart, $3  }
0xc2: {  	[dreg:$0x1] =	wrdreg $0xFFFFFFFF  }
0xc3: {  	_ =	task.clear_ibuf [dreg:s8], $0x2FFFF;
	_ =	strace $0x9FFFFFFF  }
0xc4: {  	(tm) =	ssettm $0x7FFFFFFF  }
0xc5: {  	_ =	shalt  }
tec
execute0_lowered:
.L_overlay_start_1:
0x0: {  	(tag) =	ssettag $0x1  }
0x1: {  	s1 =	rddreg [dreg:$0x0]  }
0x2: {  	s0 =	rddreg [dreg:$0x1]  }
0x3: {  	s2 =	rddreg [dreg:$0x2]  }
0x4: {  	s3 =	simm.s32 $0x0;
	s4 =	srdreg.scid;
	s6 =	stileid.u32  }
0x5: {  	s28 =	simm.s32 $0x11080;
	s11 =	simm.s32 $0x2;
	s31 =	simm.s32 $0x0  }
0x6: {  	[smem:$0x7FF] =	sst s3;
	s5 =	sand.u32 $0x1, s4;
	s6 =	sshll.u32 s6, $0x1  }
0x7: {  	s4 =	sadd.s32 $0xC00, s2;
	_ =	strace $0x8000004A;
	s8 =	sor.u32 s5, s6  }
0x8: {  	s7 =	ssub.s32 $0x2, s5;
	s5 =	sadd.s32 $0x8C00, s2;
	s9 =	smul.u32 $0x310, s8  }
0x9: {  	s6 =	simm.s32 $0x57;
	s25 =	sshrl.u32 s7, $0x1;
	p0 =	seq.s32 s8, $0x1F  }
0xa: {  	s10 =	smul.u32 $0x31000, s8;
	s29 =	sshll.u32 s8, $0x5;
	s26 =	sadd.s32 s0, s9  }
0xb: {  	s2 =	ssub.s32 s7, s25;
	s0 =	sadd.s32 $0x5EF0, s0;
	[dreg:$0x4] =	wrdreg s26  }
0xc: {  	v3 =	vlaneseq.u32;
	vm0 =	vmmov $0xffff;
	s6 =	simm.s32 @!p0 $0x62;
	s30 =	sadd.s32 s1, s10;
	[dreg:$0x5] =	wrdreg s0  }
0xd: {  	v2 =	vshrl.u32 v3, $0x3;
	v1 =	vand.u32 $0x7, v3;
	v3 =	vor.u32 $0x8, v3;
	s25 =	simm.s32 $0x10080;
	s2 =	smax.u32 s2, $0x1;
	[dreg:$0x6] =	wrdreg s30  }
0xe: {  	v2 =	vmul.u32 $0x8, v2;
	v4 =	vor.u32 $0x8, v1;
	v0 =	vmov s29;
	s10 =	smul.u32 $0x188000, s8;
	[dreg:$0x7] =	wrdreg s2;
	s26 =	simm.s32 $0x10880  }
.LBB2_1:
0xf: {  	s0 =	simm.s32 @p0 $0x0;
	s2 =	rddreg [dreg:$0x5]  }
0x10: {  	[tilespmem:s0], [sflag:$0x1] =	stream.linear.gather @p0 [hbm4b:s2+s0], $0x15C0, $0x38;
	[tilespmem:$0x1D880] =	vst v63  }
0x11: {  	s0 =	simm.s32 @p0 $0x1  }
0x12: {  	_ =	swait.ge @p0 [sflag:s0], $0x15C0  }
0x13: {  	[sflag:s0] =	ssyncset.done @p0 $0x0  }
0x14: {  	s2 =	rddreg [dreg:$0x4];
	[sflag:s0] =	ssyncadd.s32 @p0 $0xFFFFEA40;
	s0 =	simm.s32 @!p0 $0x0  }
0x15: {  	[tilespmem:s0], [sflag:$0x1] =	stream.linear.gather @!p0 [hbm4b:s2+s0], $0x1880, $0x38;
	[tilespmem:$0x1D880] =	vst v63  }
0x16: {  	s0 =	simm.s32 @!p0 $0x1  }
0x17: {  	_ =	swait.ge @!p0 [sflag:s0], $0x1880  }
0x18: {  	[sflag:s0] =	ssyncset.done @!p0 $0x0  }
0x19: {  	s2 =	simm.s32 $0x20;
	[sflag:s0] =	ssyncadd.s32 @!p0 $0xFFFFE780  }
0x1a: {  	v5 =	vld [tilespmem:s2+$0xFFFFFFE0]  }
0x1b: {  	v7 =	vld [tilespmem:s2+$0x0]  }
0x1c: {  	v6 =	vld [tilespmem:s2+$0x10]  }
0x1d: {  	v8 =	vld [tilespmem:s2+$0xFFFFFFF0];
	_ =	sdelay $0x1  }
0x1e: {  	s0 =	simm.s32 $0x60;
	v9 =	vadd.s32 v0, v5  }
0x1f: {  	v5 =	vld [tilespmem:s0+$0xFFFFFFE0];
	v10 =	vadd.s32 v0, v7;
	[tilespmem:s2+$0xFFFFFFE0] =	vst v9  }
0x20: {  	v7 =	vld [tilespmem:s0+$0x0];
	v9 =	vadd.s32 v0, v6;
	[tilespmem:s2+$0x0] =	vst v10  }
0x21: {  	s7 =	simm.s32 $0x4;
	v8 =	vadd.s32 v0, v8;
	v6 =	vld [tilespmem:s0+$0x10];
	[tilespmem:s2+$0x10] =	vst v9  }
.LBB2_2:
0x22: {  	s7 =	sadd.s32 $0x4, s7  }
0x23: {  	v9 =	vld [tilespmem:s0+$0xFFFFFFF0];
	[tilespmem:s2+$0xFFFFFFF0] =	vst v8;
	s2 =	smov.u32 s0;
	p1 =	slt.u32 s7, $0x184  }
.Ltmp0:
0x24: {  	(pc) =	sbr.rel @p1 .LBB2_2-.Ltmp0, $4  }
0x25: {  	s0 =	sadd.s32 $0x40, s0;
	v8 =	vadd.s32 v0, v5  }
0x26: {  	v5 =	vld [tilespmem:s0+$0xFFFFFFE0];
	[tilespmem:s2+$0xFFFFFFE0] =	vst v8;
	v8 =	vadd.s32 v0, v6  }
0x27: {  	v6 =	vld [tilespmem:s0+$0x10];
	v10 =	vadd.s32 v0, v7;
	[tilespmem:s2+$0x10] =	vst v8  }
0x28: {  	v7 =	vld [tilespmem:s0+$0x0];
	v8 =	vadd.s32 v0, v9;
	[tilespmem:s2+$0x0] =	vst v10  }
0x29: {  	v9 =	vld [tilespmem:s0+$0xFFFFFFF0];
	_ =	sdelay $0x1  }
0x2a: {  	[tilespmem:s2+$0xFFFFFFF0] =	vst v8;
	v5 =	vadd.s32 v0, v5  }
0x2b: {  	[tilespmem:s0+$0xFFFFFFE0] =	vst v5;
	v5 =	vadd.s32 v0, v6  }
0x2c: {  	v6 =	vadd.s32 v0, v7;
	[tilespmem:s0+$0x10] =	vst v5  }
0x2d: {  	v5 =	vadd.s32 v0, v9;
	[tilespmem:s0+$0x0] =	vst v6  }
0x2e: {  	[tilespmem:s0+$0xFFFFFFF0] =	vst v5  }
0x2f: {  	v5 =	vld [tilespmem:$0x0];
	_ =	sdelay $0x4  }
0x30: {  	v6 =	vshll.u32 v5, $0x1  }
0x31: {  	v5 =	vand.u32 $0x7, v5;
	v6 =	vand.u32 $0xFFFFFFF0, v6  }
0x32: {  	v5 =	vor.u32 v5, v6  }
0x33: {  	v6 =	vperm.xlane v5, v1;
	_ =	sdelay $0x1  }
0x34: {  	v5 =	vperm.xlane v5, v3;
	v6 =	vadd.s32 v2, v6;
	_ =	sdelay $0x1  }
0x35: {  	v5 =	vadd.s32 v2, v5;
	_ =	sdelay $0x1  }
0x36: {  	s7 =	simm.s32 $0x0;
	s12 =	simm.s32 $0x9880  }
0x37: {  	[tilespmem:s12], [sflag:$0x3] =	stream.indirect_vreg.gather [hbm4b:s4+s7], $0x80, v6, vm0, $0xb8;
	[tilespmem:$0x1D880] =	vst v63  }
0x38: {  	s13 =	simm.s32 $0xA080  }
0x39: {  	[tilespmem:s13], [sflag:$0x3] =	stream.indirect_vreg.gather [hbm4b:s4+s7], $0x80, v5, vm0, $0xb8;
	[tilespmem:$0x1D880] =	vst v63  }
0x3a: {  	v5 =	vld [tilespmem:$0x10];
	_ =	sdelay $0x4  }
0x3b: {  	v6 =	vshll.u32 v5, $0x1  }
0x3c: {  	v5 =	vand.u32 $0x7, v5;
	v6 =	vand.u32 $0xFFFFFFF0, v6  }
0x3d: {  	v5 =	vor.u32 v5, v6  }
0x3e: {  	v6 =	vperm.xlane v5, v1;
	_ =	sdelay $0x1  }
0x3f: {  	v5 =	vperm.xlane v5, v3;
	v6 =	vadd.s32 v2, v6;
	_ =	sdelay $0x1  }
0x40: {  	v5 =	vadd.s32 v2, v5;
	_ =	sdelay $0x1  }
0x41: {  	s14 =	simm.s32 $0xA880  }
0x42: {  	[tilespmem:s14], [sflag:$0x3] =	stream.indirect_vreg.gather [hbm4b:s4+s7], $0x80, v6, vm0, $0xb8;
	[tilespmem:$0x1D880] =	vst v63  }
0x43: {  	s15 =	simm.s32 $0xB080  }
0x44: {  	[tilespmem:s15], [sflag:$0x3] =	stream.indirect_vreg.gather [hbm4b:s4+s7], $0x80, v5, vm0, $0xb8;
	[tilespmem:$0x1D880] =	vst v63  }
0x45: {  	v5 =	vld [tilespmem:$0x20];
	_ =	sdelay $0x4  }
0x46: {  	v6 =	vshll.u32 v5, $0x1  }
0x47: {  	v5 =	vand.u32 $0x7, v5;
	v6 =	vand.u32 $0xFFFFFFF0, v6  }
0x48: {  	v5 =	vor.u32 v5, v6  }
0x49: {  	v6 =	vperm.xlane v5, v1;
	_ =	sdelay $0x1  }
0x4a: {  	v5 =	vperm.xlane v5, v3;
	v6 =	vadd.s32 v2, v6;
	_ =	sdelay $0x1  }
0x4b: {  	v5 =	vadd.s32 v2, v5;
	_ =	sdelay $0x1  }
0x4c: {  	s16 =	simm.s32 $0xB880  }
0x4d: {  	[tilespmem:s16], [sflag:$0x3] =	stream.indirect_vreg.gather [hbm4b:s4+s7], $0x80, v6, vm0, $0xb8;
	[tilespmem:$0x1D880] =	vst v63  }
0x4e: {  	s17 =	simm.s32 $0xC080  }
0x4f: {  	[tilespmem:s17], [sflag:$0x3] =	stream.indirect_vreg.gather [hbm4b:s4+s7], $0x80, v5, vm0, $0xb8;
	[tilespmem:$0x1D880] =	vst v63  }
0x50: {  	v5 =	vld [tilespmem:$0x30];
	_ =	sdelay $0x4  }
0x51: {  	v6 =	vshll.u32 v5, $0x1  }
0x52: {  	v5 =	vand.u32 $0x7, v5;
	v6 =	vand.u32 $0xFFFFFFF0, v6  }
0x53: {  	v5 =	vor.u32 v5, v6  }
0x54: {  	v6 =	vperm.xlane v5, v1;
	_ =	sdelay $0x1  }
0x55: {  	v5 =	vperm.xlane v5, v3;
	v6 =	vadd.s32 v2, v6;
	_ =	sdelay $0x1  }
0x56: {  	v5 =	vadd.s32 v2, v5;
	_ =	sdelay $0x1  }
0x57: {  	s18 =	simm.s32 $0xC880  }
0x58: {  	[tilespmem:s18], [sflag:$0x3] =	stream.indirect_vreg.gather [hbm4b:s4+s7], $0x80, v6, vm0, $0xb8;
	[tilespmem:$0x1D880] =	vst v63  }
0x59: {  	s19 =	simm.s32 $0xD080  }
0x5a: {  	[tilespmem:s19], [sflag:$0x3] =	stream.indirect_vreg.gather [hbm4b:s4+s7], $0x80, v5, vm0, $0xb8;
	[tilespmem:$0x1D880] =	vst v63  }
0x5b: {  	v5 =	vld [tilespmem:$0x40];
	_ =	sdelay $0x4  }
0x5c: {  	v6 =	vshll.u32 v5, $0x1  }
0x5d: {  	v5 =	vand.u32 $0x7, v5;
	v6 =	vand.u32 $0xFFFFFFF0, v6  }
0x5e: {  	v5 =	vor.u32 v5, v6  }
0x5f: {  	v6 =	vperm.xlane v5, v1;
	_ =	sdelay $0x1  }
0x60: {  	v5 =	vperm.xlane v5, v3;
	v6 =	vadd.s32 v2, v6;
	_ =	sdelay $0x1  }
0x61: {  	v5 =	vadd.s32 v2, v5;
	_ =	sdelay $0x1  }
0x62: {  	s20 =	simm.s32 $0xD880  }
0x63: {  	[tilespmem:s20], [sflag:$0x4] =	stream.indirect_vreg.gather [hbm4b:s4+s7], $0x80, v6, vm0, $0xb8;
	[tilespmem:$0x1D880] =	vst v63  }
0x64: {  	s21 =	simm.s32 $0xE080  }
0x65: {  	[tilespmem:s21], [sflag:$0x4] =	stream.indirect_vreg.gather [hbm4b:s4+s7], $0x80, v5, vm0, $0xb8;
	[tilespmem:$0x1D880] =	vst v63  }
0x66: {  	v5 =	vld [tilespmem:$0x50];
	_ =	sdelay $0x4  }
0x67: {  	v6 =	vshll.u32 v5, $0x1  }
0x68: {  	v5 =	vand.u32 $0x7, v5;
	v6 =	vand.u32 $0xFFFFFFF0, v6  }
0x69: {  	v5 =	vor.u32 v5, v6  }
0x6a: {  	v6 =	vperm.xlane v5, v1;
	_ =	sdelay $0x1  }
0x6b: {  	v5 =	vperm.xlane v5, v3;
	v6 =	vadd.s32 v2, v6;
	_ =	sdelay $0x1  }
0x6c: {  	v5 =	vadd.s32 v2, v5;
	_ =	sdelay $0x1  }
0x6d: {  	s22 =	simm.s32 $0xE880  }
0x6e: {  	[tilespmem:s22], [sflag:$0x4] =	stream.indirect_vreg.gather [hbm4b:s4+s7], $0x80, v6, vm0, $0xb8;
	[tilespmem:$0x1D880] =	vst v63  }
0x6f: {  	s23 =	simm.s32 $0xF080  }
0x70: {  	[tilespmem:s23], [sflag:$0x4] =	stream.indirect_vreg.gather [hbm4b:s4+s7], $0x80, v5, vm0, $0xb8;
	[tilespmem:$0x1D880] =	vst v63  }
0x71: {  	v5 =	vld [tilespmem:$0x60];
	_ =	sdelay $0x4  }
0x72: {  	v6 =	vshll.u32 v5, $0x1  }
0x73: {  	v5 =	vand.u32 $0x7, v5;
	v6 =	vand.u32 $0xFFFFFFF0, v6  }
0x74: {  	v5 =	vor.u32 v5, v6  }
0x75: {  	v6 =	vperm.xlane v5, v1;
	_ =	sdelay $0x1  }
0x76: {  	v5 =	vperm.xlane v5, v3;
	v6 =	vadd.s32 v2, v6;
	_ =	sdelay $0x1  }
0x77: {  	v5 =	vadd.s32 v2, v5;
	_ =	sdelay $0x1  }
0x78: {  	s24 =	simm.s32 $0xF880  }
0x79: {  	[tilespmem:s24], [sflag:$0x4] =	stream.indirect_vreg.gather [hbm4b:s4+s7], $0x80, v6, vm0, $0xb8;
	[tilespmem:$0x1D880] =	vst v63  }
0x7a: {  	_ = 	snop  }
0x7b: {  	[tilespmem:s25], [sflag:$0x4] =	stream.indirect_vreg.gather [hbm4b:s4+s7], $0x80, v5, vm0, $0xb8;
	[tilespmem:$0x1D880] =	vst v63  }
0x7c: {  	v5 =	vld [tilespmem:$0x70];
	_ =	sdelay $0x4  }
0x7d: {  	v6 =	vshll.u32 v5, $0x1  }
0x7e: {  	v5 =	vand.u32 $0x7, v5;
	v6 =	vand.u32 $0xFFFFFFF0, v6  }
0x7f: {  	v5 =	vor.u32 v5, v6  }
0x80: {  	v6 =	vperm.xlane v5, v1;
	_ =	sdelay $0x1  }
0x81: {  	v5 =	vperm.xlane v5, v3;
	v6 =	vadd.s32 v2, v6;
	_ =	sdelay $0x1  }
0x82: {  	v5 =	vadd.s32 v2, v5;
	_ =	sdelay $0x2  }
0x83: {  	[tilespmem:s26], [sflag:$0x4] =	stream.indirect_vreg.gather [hbm4b:s4+s7], $0x80, v6, vm0, $0xb8;
	[tilespmem:$0x1D880] =	vst v63  }
0x84: {  	_ = 	snop  }
0x85: {  	[tilespmem:s28], [sflag:$0x4] =	stream.indirect_vreg.gather [hbm4b:s4+s7], $0x80, v5, vm0, $0xb8;
	[tilespmem:$0x1D880] =	vst v63  }
0x86: {  	s30 =	simm.s32 $0x1880;
	p1 =	por $0x0, $0x0;
	s29 =	rddreg [dreg:$0x6]  }
0x87: {  	[tilespmem:s30], [sflag:$0x2] =	stream.linear.gather [hbm4b:s29+s7], $0x4000, $0x38;
	[tilespmem:$0x1D880] =	vst v63  }
.LBB2_4:
0x88: {  	s2 =	sadd.s32 $0x2, s7  }
0x89: {  	p2 =	sge.u32 s2, s6  }
.Ltmp1:
0x8a: {  	_ = 	snop;
	(pc) =	sbr.rel @p2 .LBB2_10-.Ltmp1, $1  }
0x8b: {  	_ =	sdelay $0x3  }
0x8c: {  	s0 =	sshll.u32 s2, $0x6  }
0x8d: {  	s8 =	smulhi.u32 $0xAAAAAAAB, s2;
	s0 =	sand.u32 $0x3FFFFFC0, s0  }
0x8e: {  	v5 =	vld [tilespmem:s0+$0x0]  }
0x8f: {  	s8 =	sshrl.u32 s8, $0x1  }
0x90: {  	s8 =	smul.u32 $0x3, s8;
	_ =	sdelay $0x1  }
0x91: {  	s2 =	ssub.s32 s2, s8  }
0x92: {  	p2 =	seq.s32 s2, $0x2;
	v6 =	vshll.u32 v5, $0x1  }
.Ltmp2:
0x93: {  	v5 =	vand.u32 $0x7, v5;
	v6 =	vand.u32 $0xFFFFFFF0, v6;
	(pc) =	sbr.rel @p2 .LBB2_9-.Ltmp2, $3  }
0x94: {  	v6 =	vor.u32 v5, v6  }
0x95: {  	v5 =	vperm.xlane v6, v1;
	_ =	sdelay $0x1  }
0x96: {  	v5 =	vadd.s32 v2, v5  }
0x97: {  	p2 =	seq.s32 s2, $0x1  }
.Ltmp3:
0x98: {  	_ = 	snop;
	(pc) =	sbr.rel @!p2 .LBB2_7-.Ltmp3, $3  }
0x99: {  	_ = 	snop  }
0x9a: {  	v6 =	vperm.xlane v6, v4;
	_ =	sdelay $0x1  }
0x9b: {  	v6 =	vadd.s32 v2, v6  }
0x9c: {  	_ =	sdelay $0x2  }
0x9d: {  	s2 =	simm.s32 $0xD880  }
0x9e: {  	[tilespmem:s2], [sflag:$0x4] =	stream.indirect_vreg.gather [hbm4b:s4+s3], $0x80, v5, vm0, $0xb8;
	[tilespmem:$0x1D880] =	vst v63  }
0x9f: {  	s23 =	simm.s32 $0xE080  }
0xa0: {  	[tilespmem:s23], [sflag:$0x4] =	stream.indirect_vreg.gather [hbm4b:s4+s3], $0x80, v6, vm0, $0xb8;
	[tilespmem:$0x1D880] =	vst v63  }
0xa1: {  	v5 =	vld [tilespmem:s0+$0x10];
	_ =	sdelay $0x4  }
0xa2: {  	v6 =	vshll.u32 v5, $0x1  }
0xa3: {  	v5 =	vand.u32 $0x7, v5;
	v6 =	vand.u32 $0xFFFFFFF0, v6  }
0xa4: {  	v5 =	vor.u32 v5, v6  }
0xa5: {  	v6 =	vperm.xlane v5, v1;
	_ =	sdelay $0x1  }
0xa6: {  	v5 =	vperm.xlane v5, v4;
	v6 =	vadd.s32 v2, v6;
	_ =	sdelay $0x1  }
0xa7: {  	v5 =	vadd.s32 v2, v5;
	_ =	sdelay $0x1  }
0xa8: {  	s24 =	simm.s32 $0xE880  }
0xa9: {  	[tilespmem:s24], [sflag:$0x4] =	stream.indirect_vreg.gather [hbm4b:s4+s3], $0x80, v6, vm0, $0xb8;
	[tilespmem:$0x1D880] =	vst v63  }
0xaa: {  	s29 =	simm.s32 $0xF080  }
0xab: {  	[tilespmem:s29], [sflag:$0x4] =	stream.indirect_vreg.gather [hbm4b:s4+s3], $0x80, v5, vm0, $0xb8;
	[tilespmem:$0x1D880] =	vst v63  }
0xac: {  	v5 =	vld [tilespmem:s0+$0x20];
	_ =	sdelay $0x4  }
0xad: {  	v6 =	vshll.u32 v5, $0x1  }
0xae: {  	v5 =	vand.u32 $0x7, v5;
	v6 =	vand.u32 $0xFFFFFFF0, v6  }
0xaf: {  	v5 =	vor.u32 v5, v6  }
0xb0: {  	v6 =	vperm.xlane v5, v1;
	_ =	sdelay $0x1  }
0xb1: {  	v5 =	vperm.xlane v5, v4;
	v6 =	vadd.s32 v2, v6;
	_ =	sdelay $0x1  }
0xb2: {  	v5 =	vadd.s32 v2, v5;
	_ =	sdelay $0x1  }
0xb3: {  	s30 =	simm.s32 $0xF880  }
0xb4: {  	[tilespmem:s30], [sflag:$0x4] =	stream.indirect_vreg.gather [hbm4b:s4+s3], $0x80, v6, vm0, $0xb8;
	[tilespmem:$0x1D880] =	vst v63  }
0xb5: {  	_ = 	snop  }
0xb6: {  	[tilespmem:s25], [sflag:$0x4] =	stream.indirect_vreg.gather [hbm4b:s4+s3], $0x80, v5, vm0, $0xb8;
	[tilespmem:$0x1D880] =	vst v63  }
0xb7: {  	v5 =	vld [tilespmem:s0+$0x30];
	_ =	sdelay $0x4  }
0xb8: {  	v6 =	vshll.u32 v5, $0x1  }
0xb9: {  	v5 =	vand.u32 $0x7, v5;
	v6 =	vand.u32 $0xFFFFFFF0, v6  }
0xba: {  	v5 =	vor.u32 v5, v6  }
0xbb: {  	v6 =	vperm.xlane v5, v1;
	_ =	sdelay $0x1  }
0xbc: {  	v5 =	vperm.xlane v5, v4;
	v6 =	vadd.s32 v2, v6;
	_ =	sdelay $0x1  }
0xbd: {  	v5 =	vadd.s32 v2, v5  }
.Ltmp4:
0xbe: {  	_ = 	snop;
	(pc) =	sbr.rel .LBB2_10-.Ltmp4, $4  }
0xbf: {  	_ = 	snop  }
0xc0: {  	[tilespmem:s26], [sflag:$0x4] =	stream.indirect_vreg.gather [hbm4b:s4+s3], $0x80, v6, vm0, $0xb8;
	[tilespmem:$0x1D880] =	vst v63  }
0xc1: {  	_ = 	snop  }
0xc2: {  	[tilespmem:s28], [sflag:$0x4] =	stream.indirect_vreg.gather [hbm4b:s4+s3], $0x80, v5, vm0, $0xb8;
	[tilespmem:$0x1D880] =	vst v63  }
.LBB2_9:
0xc3: {  	v6 =	vperm.xlane v6, v4;
	_ =	sdelay $0x1  }
0xc4: {  	v6 =	vadd.s32 v2, v6;
	_ =	sdelay $0x1  }
0xc5: {  	s2 =	simm.s32 $0x11880  }
0xc6: {  	[tilespmem:s2], [sflag:$0x5] =	stream.indirect_vreg.gather [hbm4b:s4+s3], $0x80, v5, vm0, $0xb8;
	[tilespmem:$0x1D880] =	vst v63  }
0xc7: {  	s20 =	simm.s32 $0x12080  }
0xc8: {  	[tilespmem:s20], [sflag:$0x5] =	stream.indirect_vreg.gather [hbm4b:s4+s3], $0x80, v6, vm0, $0xb8;
	[tilespmem:$0x1D880] =	vst v63  }
0xc9: {  	v5 =	vld [tilespmem:s0+$0x10];
	_ =	sdelay $0x4  }
0xca: {  	v6 =	vshll.u32 v5, $0x1  }
0xcb: {  	v5 =	vand.u32 $0x7, v5;
	v6 =	vand.u32 $0xFFFFFFF0, v6  }
0xcc: {  	v5 =	vor.u32 v5, v6  }
0xcd: {  	v6 =	vperm.xlane v5, v1;
	_ =	sdelay $0x1  }
0xce: {  	v5 =	vperm.xlane v5, v4;
	v6 =	vadd.s32 v2, v6;
	_ =	sdelay $0x1  }
0xcf: {  	v5 =	vadd.s32 v2, v5;
	_ =	sdelay $0x1  }
0xd0: {  	s21 =	simm.s32 $0x12880  }
0xd1: {  	[tilespmem:s21], [sflag:$0x5] =	stream.indirect_vreg.gather [hbm4b:s4+s3], $0x80, v6, vm0, $0xb8;
	[tilespmem:$0x1D880] =	vst v63  }
0xd2: {  	s22 =	simm.s32 $0x13080  }
0xd3: {  	[tilespmem:s22], [sflag:$0x5] =	stream.indirect_vreg.gather [hbm4b:s4+s3], $0x80, v5, vm0, $0xb8;
	[tilespmem:$0x1D880] =	vst v63  }
0xd4: {  	v5 =	vld [tilespmem:s0+$0x20];
	_ =	sdelay $0x4  }
0xd5: {  	v6 =	vshll.u32 v5, $0x1  }
0xd6: {  	v5 =	vand.u32 $0x7, v5;
	v6 =	vand.u32 $0xFFFFFFF0, v6  }
0xd7: {  	v5 =	vor.u32 v5, v6  }
0xd8: {  	v6 =	vperm.xlane v5, v1;
	_ =	sdelay $0x1  }
0xd9: {  	v5 =	vperm.xlane v5, v4;
	v6 =	vadd.s32 v2, v6;
	_ =	sdelay $0x1  }
0xda: {  	v5 =	vadd.s32 v2, v5;
	_ =	sdelay $0x1  }
0xdb: {  	s23 =	simm.s32 $0x13880  }
0xdc: {  	[tilespmem:s23], [sflag:$0x5] =	stream.indirect_vreg.gather [hbm4b:s4+s3], $0x80, v6, vm0, $0xb8;
	[tilespmem:$0x1D880] =	vst v63  }
0xdd: {  	s24 =	simm.s32 $0x14080  }
0xde: {  	[tilespmem:s24], [sflag:$0x5] =	stream.indirect_vreg.gather [hbm4b:s4+s3], $0x80, v5, vm0, $0xb8;
	[tilespmem:$0x1D880] =	vst v63  }
0xdf: {  	v5 =	vld [tilespmem:s0+$0x30];
	_ =	sdelay $0x4  }
0xe0: {  	v6 =	vshll.u32 v5, $0x1  }
0xe1: {  	v5 =	vand.u32 $0x7, v5;
	v6 =	vand.u32 $0xFFFFFFF0, v6  }
0xe2: {  	v5 =	vor.u32 v5, v6  }
0xe3: {  	v6 =	vperm.xlane v5, v1;
	_ =	sdelay $0x1  }
0xe4: {  	v5 =	vperm.xlane v5, v4;
	v6 =	vadd.s32 v2, v6;
	_ =	sdelay $0x1  }
0xe5: {  	v5 =	vadd.s32 v2, v5  }
.Ltmp5:
0xe6: {  	_ = 	snop;
	(pc) =	sbr.rel .LBB2_10-.Ltmp5, $4  }
0xe7: {  	s29 =	simm.s32 $0x14880  }
0xe8: {  	[tilespmem:s29], [sflag:$0x5] =	stream.indirect_vreg.gather [hbm4b:s4+s3], $0x80, v6, vm0, $0xb8;
	[tilespmem:$0x1D880] =	vst v63  }
0xe9: {  	s30 =	simm.s32 $0x15080  }
0xea: {  	[tilespmem:s30], [sflag:$0x5] =	stream.indirect_vreg.gather [hbm4b:s4+s3], $0x80, v5, vm0, $0xb8;
	[tilespmem:$0x1D880] =	vst v63  }
.LBB2_7:
0xeb: {  	_ =	sdelay $0x2  }
0xec: {  	s2 =	simm.s32 $0x9880  }
0xed: {  	[tilespmem:s2], [sflag:$0x3] =	stream.indirect_vreg.gather [hbm4b:s4+s3], $0x80, v5, vm0, $0xb8;
	[tilespmem:$0x1D880] =	vst v63  }
0xee: {  	s20 =	simm.s32 $0xA080  }
0xef: {  	[tilespmem:s20], [sflag:$0x3] =	stream.indirect_vreg.gather [hbm4b:s4+s3], $0x80, v6, vm0, $0xb8;
	[tilespmem:$0x1D880] =	vst v63  }
0xf0: {  	v5 =	vld [tilespmem:s0+$0x10];
	_ =	sdelay $0x4  }
0xf1: {  	v6 =	vshll.u32 v5, $0x1  }
0xf2: {  	v5 =	vand.u32 $0x7, v5;
	v6 =	vand.u32 $0xFFFFFFF0, v6  }
0xf3: {  	v5 =	vor.u32 v5, v6  }
0xf4: {  	v6 =	vperm.xlane v5, v1;
	_ =	sdelay $0x1  }
0xf5: {  	v5 =	vperm.xlane v5, v4;
	v6 =	vadd.s32 v2, v6;
	_ =	sdelay $0x1  }
0xf6: {  	v5 =	vadd.s32 v2, v5;
	_ =	sdelay $0x1  }
0xf7: {  	s21 =	simm.s32 $0xA880  }
0xf8: {  	[tilespmem:s21], [sflag:$0x3] =	stream.indirect_vreg.gather [hbm4b:s4+s3], $0x80, v6, vm0, $0xb8;
	[tilespmem:$0x1D880] =	vst v63  }
0xf9: {  	s22 =	simm.s32 $0xB080  }
0xfa: {  	[tilespmem:s22], [sflag:$0x3] =	stream.indirect_vreg.gather [hbm4b:s4+s3], $0x80, v5, vm0, $0xb8;
	[tilespmem:$0x1D880] =	vst v63  }
0xfb: {  	v5 =	vld [tilespmem:s0+$0x20];
	_ =	sdelay $0x4  }
0xfc: {  	v6 =	vshll.u32 v5, $0x1  }
0xfd: {  	v5 =	vand.u32 $0x7, v5;
	v6 =	vand.u32 $0xFFFFFFF0, v6  }
0xfe: {  	v5 =	vor.u32 v5, v6  }
0xff: {  	v6 =	vperm.xlane v5, v1;
	_ =	sdelay $0x1  }
0x100: {  	v5 =	vperm.xlane v5, v4;
	v6 =	vadd.s32 v2, v6;
	_ =	sdelay $0x1  }
0x101: {  	v5 =	vadd.s32 v2, v5;
	_ =	sdelay $0x1  }
0x102: {  	s23 =	simm.s32 $0xB880  }
0x103: {  	[tilespmem:s23], [sflag:$0x3] =	stream.indirect_vreg.gather [hbm4b:s4+s3], $0x80, v6, vm0, $0xb8;
	[tilespmem:$0x1D880] =	vst v63  }
0x104: {  	s24 =	simm.s32 $0xC080  }
0x105: {  	[tilespmem:s24], [sflag:$0x3] =	stream.indirect_vreg.gather [hbm4b:s4+s3], $0x80, v5, vm0, $0xb8;
	[tilespmem:$0x1D880] =	vst v63  }
0x106: {  	v5 =	vld [tilespmem:s0+$0x30];
	_ =	sdelay $0x4  }
0x107: {  	v6 =	vshll.u32 v5, $0x1  }
0x108: {  	v5 =	vand.u32 $0x7, v5;
	v6 =	vand.u32 $0xFFFFFFF0, v6  }
0x109: {  	v5 =	vor.u32 v5, v6  }
0x10a: {  	v6 =	vperm.xlane v5, v1;
	_ =	sdelay $0x1  }
0x10b: {  	v5 =	vperm.xlane v5, v4;
	v6 =	vadd.s32 v2, v6;
	_ =	sdelay $0x1  }
0x10c: {  	v5 =	vadd.s32 v2, v5;
	_ =	sdelay $0x1  }
0x10d: {  	s29 =	simm.s32 $0xC880  }
0x10e: {  	[tilespmem:s29], [sflag:$0x3] =	stream.indirect_vreg.gather [hbm4b:s4+s3], $0x80, v6, vm0, $0xb8;
	[tilespmem:$0x1D880] =	vst v63  }
0x10f: {  	s30 =	simm.s32 $0xD080  }
0x110: {  	[tilespmem:s30], [sflag:$0x3] =	stream.indirect_vreg.gather [hbm4b:s4+s3], $0x80, v5, vm0, $0xb8;
	[tilespmem:$0x1D880] =	vst v63  }
.LBB2_10:
0x111: {  	s2 =	smulhi.u32 $0xAAAAAAAB, s7  }
0x112: {  	s0 =	sadd.s32 $0x1, s7  }
0x113: {  	p2 =	sge.u32 s0, s6;
	s2 =	sshrl.u32 s2, $0x1  }
0x114: {  	s8 =	sshll.u32 @!p2 s0, $0xE;
	s2 =	smul.u32 $0x3, s2  }
0x115: {  	s29 =	sshll.u32 s7, $0xE;
	s8 =	sadd.s32 @!p2 s10, s8  }
0x116: {  	s8 =	sshrl.u32 @!p2 s8, $0x3;
	s9 =	ssub.s32 s7, s2;
	s2 =	sand.u32 $0x4000, s29  }
0x117: {  	s13 =	simm.s32 @!p2 $0x0;
	s8 =	sadd.s32 @!p2 s1, s8;
	s12 =	ssub.s32 @!p2 $0x5880, s2  }
0x118: {  	[tilespmem:s12], [sflag:$0x2] =	stream.linear.gather @!p2 [hbm4b:s8+s13], $0x4000, $0x38;
	[tilespmem:$0x1D880] =	vst v63  }
0x119: {  	p2 =	seq.s32 s9, $0x0  }
0x11a: {  	p3 =	seq.s32 @!p2 s9, $0x2  }
0x11b: {  	p3 =	por !p3, p2  }
0x11c: {  	_ =	swait.ge [sflag:s11], $0x4000;
	s8 =	simm.s32 @!p3 $0x5  }
0x11d: {  	s24 =	simm.s32 $0x0;
	[sflag:s11] =	ssyncset.done $0x0;
	s8 =	simm.s32 @p3 $0x4  }
0x11e: {  	s12 =	simm.s32 $0x1;
	[sflag:s11] =	ssyncadd.s32 $0xFFFFC000;
	s8 =	simm.s32 @p2 $0x3  }
0x11f: {  	s14 =	simm.s32 $0x80;
	s12 =	simm.s32 @!p1 $0x0;
	_ =	swait.ge [sflag:s8], $0x4000  }
0x120: {  	s9 =	sshll.u32 s9, $0xE;
	p2 =	slt.u32 s7, $0x2;
	[sflag:s8] =	ssyncset.done $0x0  }
0x121: {  	s23 =	sshll.u32 s12, $0xE;
	[sflag:s8] =	ssyncadd.s32 $0xFFFFC000;
	s8 =	simm.s32 @!p2 $0x6  }
0x122: {  	s9 =	sand.u32 $0x3FFFC000, s9;
	s12 =	sand.u32 $0x3800, s24;
	_ =	swait.ge @!p2 [sflag:s8], $0x4000  }
0x123: {  	s19 =	sor.u32 $0x1980, s23;
	s13 =	sadd.s32 $0x9880, s9;
	[sflag:s8] =	ssyncset.done @!p2 $0x0  }
0x124: {  	s9 =	sand.u32 $0x380, s14;
	s15 =	sadd.s32 s12, s13;
	[sflag:s8] =	ssyncadd.s32 @!p2 $0xFFFFC000  }
0x125: {  	s21 =	sadd.s32 s9, s15;
	v5 =	vld [tilespmem:s19+$0x0]  }
0x126: {  	s16 =	simm.s32 $0x0;
	v6 =	vld [tilespmem:s21+$0x0]  }
0x127: {  	s9 =	sand.u32 $0x300, s16  }
0x128: {  	s20 =	sadd.s32 s9, s15  }
0x129: {  	v7 =	vld [tilespmem:s20+$0x0]  }
0x12a: {  	v8 =	vld [tilespmem:s19+$0xFFFFFF00]  }
0x12b: {  	v5 =	vmul.f32 v6, v5  }
0x12c: {  	s7 =	sadd.s32 $0x15980, s23  }
0x12d: {  	[tilespmem:s7+$0x0] =	vst v5  }
0x12e: {  	v5 =	vld [tilespmem:s19+$0x10]  }
0x12f: {  	v7 =	vmul.f32 v7, v8;
	v6 =	vld [tilespmem:s21+$0x10];
	_ =	sdelay $0x1  }
0x130: {  	[tilespmem:s7+$0xFFFFFF00] =	vst v7  }
0x131: {  	v7 =	vld [tilespmem:s19+$0xFFFFFF10]  }
0x132: {  	v8 =	vld [tilespmem:s20+$0x10]  }
0x133: {  	v5 =	vmul.f32 v6, v5;
	_ =	sdelay $0x1  }
0x134: {  	[tilespmem:s7+$0x10] =	vst v5  }
0x135: {  	v5 =	vld [tilespmem:s19+$0x20]  }
0x136: {  	v6 =	vmul.f32 v8, v7;
	v7 =	vld [tilespmem:s21+$0x20];
	_ =	sdelay $0x1  }
0x137: {  	[tilespmem:s7+$0xFFFFFF10] =	vst v6  }
0x138: {  	v6 =	vld [tilespmem:s19+$0xFFFFFF20]  }
0x139: {  	v8 =	vld [tilespmem:s20+$0x20]  }
0x13a: {  	v5 =	vmul.f32 v7, v5;
	_ =	sdelay $0x1  }
0x13b: {  	[tilespmem:s7+$0x20] =	vst v5  }
0x13c: {  	v5 =	vld [tilespmem:s19+$0x30]  }
0x13d: {  	v6 =	vmul.f32 v8, v6;
	v7 =	vld [tilespmem:s21+$0x30];
	_ =	sdelay $0x1  }
0x13e: {  	[tilespmem:s7+$0xFFFFFF20] =	vst v6  }
0x13f: {  	v6 =	vld [tilespmem:s19+$0xFFFFFF30]  }
0x140: {  	v8 =	vld [tilespmem:s20+$0x30]  }
0x141: {  	v5 =	vmul.f32 v7, v5;
	_ =	sdelay $0x1  }
0x142: {  	[tilespmem:s7+$0x30] =	vst v5  }
0x143: {  	v5 =	vld [tilespmem:s19+$0x40]  }
0x144: {  	v6 =	vmul.f32 v8, v6;
	v7 =	vld [tilespmem:s21+$0x40];
	_ =	sdelay $0x1  }
0x145: {  	[tilespmem:s7+$0xFFFFFF30] =	vst v6  }
0x146: {  	v6 =	vld [tilespmem:s19+$0xFFFFFF40]  }
0x147: {  	v8 =	vld [tilespmem:s20+$0x40]  }
0x148: {  	v5 =	vmul.f32 v7, v5;
	_ =	sdelay $0x1  }
0x149: {  	[tilespmem:s7+$0x40] =	vst v5  }
0x14a: {  	v5 =	vld [tilespmem:s19+$0x50]  }
0x14b: {  	v6 =	vmul.f32 v8, v6;
	v7 =	vld [tilespmem:s21+$0x50];
	_ =	sdelay $0x1  }
0x14c: {  	[tilespmem:s7+$0xFFFFFF40] =	vst v6  }
0x14d: {  	v6 =	vld [tilespmem:s19+$0xFFFFFF50]  }
0x14e: {  	v8 =	vld [tilespmem:s20+$0x50]  }
0x14f: {  	v5 =	vmul.f32 v7, v5;
	_ =	sdelay $0x1  }
0x150: {  	[tilespmem:s7+$0x50] =	vst v5  }
0x151: {  	v5 =	vld [tilespmem:s19+$0x60]  }
0x152: {  	v6 =	vmul.f32 v8, v6;
	v7 =	vld [tilespmem:s21+$0x60];
	_ =	sdelay $0x1  }
0x153: {  	s17 =	simm.s32 $0x200;
	[tilespmem:s7+$0xFFFFFF50] =	vst v6  }
0x154: {  	s18 =	simm.s32 $0x180;
	s8 =	sand.u32 $0x3800, s17;
	v6 =	vld [tilespmem:s19+$0xFFFFFF60]  }
0x155: {  	s9 =	sand.u32 $0x380, s18;
	s22 =	sadd.s32 s8, s13;
	v8 =	vld [tilespmem:s20+$0x60]  }
0x156: {  	s9 =	sadd.s32 s9, s22;
	v5 =	vmul.f32 v7, v5  }
0x157: {  	s8 =	sadd.s32 $0x200, s19;
	v9 =	vld [tilespmem:s9+$0x0]  }
0x158: {  	s14 =	simm.s32 $0x100;
	v7 =	vld [tilespmem:s8+$0x0];
	[tilespmem:s7+$0x60] =	vst v5  }
0x159: {  	s14 =	sand.u32 $0x300, s14;
	v5 =	vld [tilespmem:s19+$0x70]  }
0x15a: {  	s12 =	sadd.s32 s14, s22;
	v6 =	vmul.f32 v8, v6;
	v8 =	vld [tilespmem:s21+$0x70]  }
0x15b: {  	v10 =	vld [tilespmem:s12+$0x0]  }
0x15c: {  	[tilespmem:s7+$0xFFFFFF60] =	vst v6;
	v6 =	vld [tilespmem:s8+$0xFFFFFF00]  }
0x15d: {  	v11 =	vld [tilespmem:s20+$0x70];
	v7 =	vmul.f32 v9, v7  }
0x15e: {  	s30 =	sadd.s32 $0x200, s7;
	v9 =	vld [tilespmem:s19+$0xFFFFFF70]  }
0x15f: {  	[tilespmem:s30+$0x0] =	vst v7;
	v5 =	vmul.f32 v8, v5  }
0x160: {  	v7 =	vld [tilespmem:s8+$0x10]  }
0x161: {  	v8 =	vld [tilespmem:s9+$0x10];
	[tilespmem:s7+$0x70] =	vst v5;
	v5 =	vmul.f32 v10, v6  }
0x162: {  	v6 =	vld [tilespmem:s19+$0x80]  }
0x163: {  	[tilespmem:s30+$0xFFFFFF00] =	vst v5;
	v5 =	vmul.f32 v11, v9;
	v9 =	vld [tilespmem:s21+$0x400]  }
0x164: {  	v10 =	vld [tilespmem:s8+$0xFFFFFF10]  }
0x165: {  	[tilespmem:s7+$0xFFFFFF70] =	vst v5;
	v5 =	vld [tilespmem:s12+$0x10]  }
0x166: {  	v7 =	vmul.f32 v8, v7;
	v8 =	vld [tilespmem:s19+$0xFFFFFF80]  }
0x167: {  	v11 =	vld [tilespmem:s20+$0x400]  }
0x168: {  	[tilespmem:s30+$0x10] =	vst v7;
	v6 =	vmul.f32 v9, v6  }
0x169: {  	v7 =	vld [tilespmem:s8+$0x20]  }
0x16a: {  	v9 =	vld [tilespmem:s9+$0x20];
	v5 =	vmul.f32 v5, v10;
	[tilespmem:s7+$0x80] =	vst v6  }
0x16b: {  	v6 =	vld [tilespmem:s19+$0x90]  }
0x16c: {  	[tilespmem:s30+$0xFFFFFF10] =	vst v5;
	v5 =	vmul.f32 v11, v8;
	v8 =	vld [tilespmem:s21+$0x410]  }
0x16d: {  	v10 =	vld [tilespmem:s8+$0xFFFFFF20]  }
0x16e: {  	v11 =	vld [tilespmem:s12+$0x20]  }
0x16f: {  	[tilespmem:s7+$0xFFFFFF80] =	vst v5;
	v5 =	vmul.f32 v9, v7  }
0x170: {  	v7 =	vld [tilespmem:s19+$0xFFFFFF90]  }
0x171: {  	v9 =	vld [tilespmem:s20+$0x410];
	[tilespmem:s30+$0x20] =	vst v5;
	v5 =	vmul.f32 v8, v6  }
0x172: {  	v6 =	vld [tilespmem:s8+$0x30]  }
0x173: {  	v8 =	vmul.f32 v11, v10;
	v10 =	vld [tilespmem:s9+$0x30];
	[tilespmem:s7+$0x90] =	vst v5  }
0x174: {  	v5 =	vld [tilespmem:s19+$0xA0]  }
0x175: {  	[tilespmem:s30+$0xFFFFFF20] =	vst v8;
	v8 =	vld [tilespmem:s21+$0x420]  }
0x176: {  	v7 =	vmul.f32 v9, v7;
	v9 =	vld [tilespmem:s8+$0xFFFFFF30]  }
0x177: {  	v11 =	vld [tilespmem:s12+$0x30]  }
0x178: {  	[tilespmem:s7+$0xFFFFFF90] =	vst v7;
	v6 =	vmul.f32 v10, v6  }
0x179: {  	v7 =	vld [tilespmem:s19+$0xFFFFFFA0]  }
0x17a: {  	v10 =	vld [tilespmem:s20+$0x420];
	[tilespmem:s30+$0x30] =	vst v6;
	v5 =	vmul.f32 v8, v5  }
0x17b: {  	v6 =	vld [tilespmem:s8+$0x40]  }
0x17c: {  	v8 =	vmul.f32 v11, v9;
	v9 =	vld [tilespmem:s9+$0x40];
	[tilespmem:s7+$0xA0] =	vst v5  }
0x17d: {  	v5 =	vld [tilespmem:s19+$0xB0]  }
0x17e: {  	[tilespmem:s30+$0xFFFFFF30] =	vst v8;
	v8 =	vld [tilespmem:s21+$0x430]  }
0x17f: {  	v7 =	vmul.f32 v10, v7;
	v10 =	vld [tilespmem:s8+$0xFFFFFF40]  }
0x180: {  	v11 =	vld [tilespmem:s12+$0x40]  }
0x181: {  	[tilespmem:s7+$0xFFFFFFA0] =	vst v7;
	v6 =	vmul.f32 v9, v6  }
0x182: {  	v7 =	vld [tilespmem:s19+$0xFFFFFFB0]  }
0x183: {  	v9 =	vld [tilespmem:s20+$0x430];
	[tilespmem:s30+$0x40] =	vst v6;
	v5 =	vmul.f32 v8, v5  }
0x184: {  	v6 =	vld [tilespmem:s8+$0x50]  }
0x185: {  	v8 =	vmul.f32 v11, v10;
	v10 =	vld [tilespmem:s9+$0x50];
	[tilespmem:s7+$0xB0] =	vst v5  }
0x186: {  	v5 =	vld [tilespmem:s19+$0xC0]  }
0x187: {  	[tilespmem:s30+$0xFFFFFF40] =	vst v8;
	v8 =	vld [tilespmem:s21+$0x440]  }
0x188: {  	v7 =	vmul.f32 v9, v7;
	v9 =	vld [tilespmem:s8+$0xFFFFFF50]  }
0x189: {  	v11 =	vld [tilespmem:s12+$0x50]  }
0x18a: {  	[tilespmem:s7+$0xFFFFFFB0] =	vst v7;
	v6 =	vmul.f32 v10, v6  }
0x18b: {  	v7 =	vld [tilespmem:s19+$0xFFFFFFC0]  }
0x18c: {  	v10 =	vld [tilespmem:s20+$0x440];
	[tilespmem:s30+$0x50] =	vst v6;
	v5 =	vmul.f32 v8, v5  }
0x18d: {  	s23 =	simm.s32 $0x400;
	v6 =	vld [tilespmem:s8+$0x60]  }
0x18e: {  	s17 =	simm.s32 $0x280;
	s14 =	sand.u32 $0x3800, s23;
	v8 =	vmul.f32 v11, v9;
	v9 =	vld [tilespmem:s9+$0x60];
	[tilespmem:s7+$0xC0] =	vst v5  }
0x18f: {  	s16 =	simm.s32 $0x200;
	s24 =	sand.u32 $0x380, s17;
	s15 =	sadd.s32 s14, s13;
	v5 =	vld [tilespmem:s19+$0xD0]  }
0x190: {  	s16 =	sand.u32 $0x300, s16;
	s14 =	sadd.s32 s24, s15;
	[tilespmem:s30+$0xFFFFFF50] =	vst v8;
	v8 =	vld [tilespmem:s21+$0x450]  }
0x191: {  	s16 =	sadd.s32 s16, s15;
	v12 =	vld [tilespmem:s14+$0x0]  }
0x192: {  	v13 =	vld [tilespmem:s16+$0x0]  }
0x193: {  	v7 =	vmul.f32 v10, v7;
	v10 =	vld [tilespmem:s8+$0xFFFFFF60];
	v6 =	vmul.f32 v9, v6  }
0x194: {  	s18 =	sadd.s32 $0x200, s8;
	v11 =	vld [tilespmem:s12+$0x60]  }
0x195: {  	v9 =	vld [tilespmem:s18+$0x0];
	[tilespmem:s30+$0x60] =	vst v6;
	v5 =	vmul.f32 v8, v5  }
0x196: {  	v6 =	vld [tilespmem:s8+$0x70]  }
0x197: {  	v8 =	vld [tilespmem:s9+$0x70];
	[tilespmem:s7+$0xD0] =	vst v5  }
0x198: {  	v5 =	vld [tilespmem:s19+$0xE0]  }
0x199: {  	[tilespmem:s7+$0xFFFFFFC0] =	vst v7;
	v10 =	vmul.f32 v11, v10;
	v11 =	vld [tilespmem:s21+$0x460]  }
0x19a: {  	v7 =	vld [tilespmem:s19+$0xFFFFFFD0]  }
0x19b: {  	[tilespmem:s30+$0xFFFFFF60] =	vst v10;
	v10 =	vld [tilespmem:s18+$0xFFFFFF00];
	v9 =	vmul.f32 v12, v9  }
0x19c: {  	s15 =	sadd.s32 $0x200, s30;
	v52 =	vld [tilespmem:s8+$0xFFFFFF70]  }
0x19d: {  	[tilespmem:s15+$0x0] =	vst v9;
	v9 =	vld [tilespmem:s12+$0x70];
	v6 =	vmul.f32 v8, v6  }
0x19e: {  	v8 =	vld [tilespmem:s18+$0x10];
	v5 =	vmul.f32 v11, v5  }
0x19f: {  	v11 =	vld [tilespmem:s14+$0x10];
	[tilespmem:s30+$0x70] =	vst v6  }
0x1a0: {  	v6 =	vld [tilespmem:s8+$0x80];
	[tilespmem:s7+$0xE0] =	vst v5  }
0x1a1: {  	v5 =	vmul.f32 v13, v10;
	v10 =	vld [tilespmem:s19+$0xF0]  }
0x1a2: {  	v53 =	vld [tilespmem:s21+$0x470]  }
0x1a3: {  	[tilespmem:s15+$0xFFFFFF00] =	vst v5;
	v5 =	vmul.f32 v9, v52;
	v9 =	vld [tilespmem:s9+$0x400]  }
0x1a4: {  	v54 =	vld [tilespmem:s18+$0xFFFFFF10]  }
0x1a5: {  	[tilespmem:s30+$0xFFFFFF70] =	vst v5;
	v5 =	vld [tilespmem:s16+$0x10]  }
0x1a6: {  	v8 =	vmul.f32 v11, v8;
	v11 =	vld [tilespmem:s8+$0xFFFFFF80]  }
0x1a7: {  	v14 =	vld [tilespmem:s12+$0x400]  }
0x1a8: {  	[tilespmem:s15+$0x10] =	vst v8;
	v8 =	vld [tilespmem:s20+$0x450];
	v6 =	vmul.f32 v9, v6  }
0x1a9: {  	v55 =	vld [tilespmem:s14+$0x20]  }
0x1aa: {  	v9 =	vld [tilespmem:s18+$0x20];
	v5 =	vmul.f32 v5, v54;
	[tilespmem:s30+$0x80] =	vst v6  }
0x1ab: {  	v6 =	vld [tilespmem:s8+$0x90]  }
0x1ac: {  	[tilespmem:s15+$0xFFFFFF10] =	vst v5;
	v5 =	vmul.f32 v14, v11;
	v11 =	vld [tilespmem:s9+$0x410]  }
0x1ad: {  	v56 =	vld [tilespmem:s18+$0xFFFFFF20]  }
0x1ae: {  	v7 =	vmul.f32 v8, v7;
	v8 =	vld [tilespmem:s16+$0x20];
	[tilespmem:s30+$0xFFFFFF80] =	vst v5  }
0x1af: {  	v5 =	vmul.f32 v55, v9;
	v9 =	vld [tilespmem:s8+$0xFFFFFF90]  }
0x1b0: {  	[tilespmem:s7+$0xFFFFFFD0] =	vst v7;
	v7 =	vld [tilespmem:s12+$0x410]  }
0x1b1: {  	[tilespmem:s15+$0x20] =	vst v5;
	v5 =	vmul.f32 v11, v6;
	v6 =	vld [tilespmem:s19+$0xFFFFFFE0]  }
0x1b2: {  	v11 =	vld [tilespmem:s18+$0x30]  }
0x1b3: {  	v57 =	vld [tilespmem:s14+$0x30];
	v8 =	vmul.f32 v8, v56;
	[tilespmem:s30+$0x90] =	vst v5  }
0x1b4: {  	v5 =	vld [tilespmem:s8+$0xA0]  }
0x1b5: {  	[tilespmem:s15+$0xFFFFFF20] =	vst v8;
	v7 =	vmul.f32 v7, v9;
	v8 =	vld [tilespmem:s9+$0x420]  }
0x1b6: {  	v9 =	vld [tilespmem:s18+$0xFFFFFF30]  }
0x1b7: {  	v58 =	vld [tilespmem:s16+$0x30];
	[tilespmem:s30+$0xFFFFFF90] =	vst v7  }
0x1b8: {  	v7 =	vmul.f32 v57, v11;
	v11 =	vld [tilespmem:s8+$0xFFFFFFA0]  }
0x1b9: {  	v59 =	vld [tilespmem:s12+$0x420]  }
0x1ba: {  	[tilespmem:s15+$0x30] =	vst v7;
	v7 =	vld [tilespmem:s20+$0x460];
	v5 =	vmul.f32 v8, v5  }
0x1bb: {  	v8 =	vld [tilespmem:s18+$0x40]  }
0x1bc: {  	v60 =	vld [tilespmem:s14+$0x40];
	v9 =	vmul.f32 v58, v9;
	[tilespmem:s30+$0xA0] =	vst v5  }
0x1bd: {  	v5 =	vld [tilespmem:s8+$0xB0]  }
0x1be: {  	[tilespmem:s15+$0xFFFFFF30] =	vst v9;
	v9 =	vmul.f32 v59, v11;
	v11 =	vld [tilespmem:s9+$0x430]  }
0x1bf: {  	v61 =	vld [tilespmem:s18+$0xFFFFFF40]  }
0x1c0: {  	v6 =	vmul.f32 v7, v6;
	v7 =	vld [tilespmem:s16+$0x40];
	[tilespmem:s30+$0xFFFFFFA0] =	vst v9  }
0x1c1: {  	v8 =	vmul.f32 v60, v8;
	v9 =	vld [tilespmem:s8+$0xFFFFFFB0]  }
0x1c2: {  	[tilespmem:s7+$0xFFFFFFE0] =	vst v6;
	v6 =	vld [tilespmem:s12+$0x430]  }
0x1c3: {  	[tilespmem:s15+$0x40] =	vst v8;
	v62 =	vld [tilespmem:s19+$0xFFFFFFF0];
	v5 =	vmul.f32 v11, v5  }
0x1c4: {  	v8 =	vld [tilespmem:s18+$0x50]  }
0x1c5: {  	v11 =	vld [tilespmem:s14+$0x50];
	v7 =	vmul.f32 v7, v61;
	[tilespmem:s30+$0xB0] =	vst v5  }
0x1c6: {  	v5 =	vld [tilespmem:s8+$0xC0]  }
0x1c7: {  	[tilespmem:s15+$0xFFFFFF40] =	vst v7;
	v6 =	vmul.f32 v6, v9;
	v7 =	vld [tilespmem:s9+$0x440]  }
0x1c8: {  	v63 =	vld [tilespmem:s18+$0xFFFFFF50]  }
0x1c9: {  	v15 =	vld [tilespmem:s16+$0x50];
	[tilespmem:s30+$0xFFFFFFB0] =	vst v6  }
0x1ca: {  	v6 =	vmul.f32 v11, v8;
	v8 =	vld [tilespmem:s8+$0xFFFFFFC0]  }
0x1cb: {  	v16 =	vld [tilespmem:s12+$0x440]  }
0x1cc: {  	v17 =	vld [tilespmem:s20+$0x470];
	[tilespmem:s15+$0x50] =	vst v6;
	v5 =	vmul.f32 v7, v5  }
0x1cd: {  	v9 =	vld [tilespmem:s18+$0x60]  }
0x1ce: {  	v11 =	vld [tilespmem:s14+$0x60];
	v7 =	vmul.f32 v15, v63;
	[tilespmem:s30+$0xC0] =	vst v5  }
0x1cf: {  	v5 =	vmul.f32 v53, v10;
	v6 =	vld [tilespmem:s8+$0xD0]  }
0x1d0: {  	[tilespmem:s15+$0xFFFFFF50] =	vst v7;
	v7 =	vld [tilespmem:s9+$0x450];
	v8 =	vmul.f32 v16, v8  }
0x1d1: {  	s21 =	simm.s32 $0x600;
	s20 =	simm.s32 $0x4;
	s19 =	smov.u32 s18;
	[tilespmem:s7+$0xF0] =	vst v5;
	v10 =	vld [tilespmem:s18+$0xFFFFFF60];
	v5 =	vmul.f32 v17, v62  }
.LBB2_11:
0x1d2: {  	s22 =	sand.u32 $0x3800, s21;
	v12 =	vld [tilespmem:s16+$0x60];
	s17 =	sadd.s32 $0x100, s17;
	[tilespmem:s30+$0xFFFFFFC0] =	vst v8  }
0x1d3: {  	s18 =	sadd.s32 $0x200, s18;
	s22 =	sadd.s32 s22, s13;
	s23 =	sand.u32 $0x380, s17;
	v8 =	vmul.f32 v11, v9;
	v9 =	vld [tilespmem:s8+$0xFFFFFFD0];
	[tilespmem:s7+$0xFFFFFFF0] =	vst v5  }
0x1d4: {  	s24 =	sadd.s32 $0xFFFFFF80, s17;
	s7 =	smov.u32 s30;
	v5 =	vld [tilespmem:s18+$0x0];
	s23 =	sadd.s32 s23, s22  }
0x1d5: {  	s30 =	smov.u32 s15;
	s24 =	sand.u32 $0x300, s24;
	v11 =	vld [tilespmem:s23+$0x0];
	[tilespmem:s15+$0x60] =	vst v8;
	v6 =	vmul.f32 v7, v6  }
0x1d6: {  	s22 =	sadd.s32 s24, s22;
	v7 =	vld [tilespmem:s19+$0x70]  }
0x1d7: {  	v8 =	vmul.f32 v12, v10;
	v10 =	vld [tilespmem:s14+$0x70];
	[tilespmem:s7+$0xD0] =	vst v6  }
0x1d8: {  	v6 =	vld [tilespmem:s8+$0xE0]  }
0x1d9: {  	[tilespmem:s15+$0xFFFFFF60] =	vst v8;
	v8 =	vld [tilespmem:s9+$0x460]  }
0x1da: {  	v12 =	vld [tilespmem:s22+$0x0]  }
0x1db: {  	v5 =	vmul.f32 v11, v5;
	v13 =	vld [tilespmem:s18+$0xFFFFFF00]  }
0x1dc: {  	s15 =	sadd.s32 $0x200, s15;
	v11 =	vld [tilespmem:s19+$0xFFFFFF70]  }
0x1dd: {  	v7 =	vmul.f32 v10, v7;
	[tilespmem:s15+$0x0] =	vst v5;
	v5 =	vld [tilespmem:s16+$0x70]  }
0x1de: {  	v10 =	vld [tilespmem:s18+$0x10];
	v6 =	vmul.f32 v8, v6  }
0x1df: {  	v8 =	vld [tilespmem:s23+$0x10];
	[tilespmem:s30+$0x70] =	vst v7  }
0x1e0: {  	v7 =	vmul.f32 v12, v13;
	v12 =	vld [tilespmem:s19+$0x80];
	[tilespmem:s7+$0xE0] =	vst v6  }
0x1e1: {  	v6 =	vld [tilespmem:s8+$0xF0]  }
0x1e2: {  	[tilespmem:s15+$0xFFFFFF00] =	vst v7;
	v5 =	vmul.f32 v5, v11;
	v7 =	vld [tilespmem:s9+$0x470];
	s9 =	smov.u32 s14;
	s14 =	smov.u32 s23  }
0x1e3: {  	v11 =	vld [tilespmem:s9+$0x400]  }
0x1e4: {  	v13 =	vld [tilespmem:s18+$0xFFFFFF10];
	[tilespmem:s30+$0xFFFFFF70] =	vst v5  }
0x1e5: {  	v5 =	vld [tilespmem:s22+$0x10]  }
0x1e6: {  	v8 =	vmul.f32 v8, v10;
	v10 =	vld [tilespmem:s19+$0xFFFFFF80]  }
0x1e7: {  	s20 =	sadd.s32 $0x2, s20;
	v14 =	vld [tilespmem:s16+$0x400];
	v6 =	vmul.f32 v7, v6  }
0x1e8: {  	p2 =	slt.u32 s20, $0x3E;
	[tilespmem:s15+$0x10] =	vst v8;
	v7 =	vmul.f32 v11, v12;
	v8 =	vld [tilespmem:s12+$0x450]  }
0x1e9: {  	v11 =	vld [tilespmem:s18+$0x20];
	[tilespmem:s7+$0xF0] =	vst v6  }
0x1ea: {  	v5 =	vmul.f32 v5, v13;
	v6 =	vld [tilespmem:s14+$0x20];
	[tilespmem:s30+$0x80] =	vst v7  }
0x1eb: {  	v7 =	vld [tilespmem:s19+$0x90]  }
0x1ec: {  	[tilespmem:s15+$0xFFFFFF10] =	vst v5;
	v5 =	vmul.f32 v14, v10;
	v10 =	vld [tilespmem:s9+$0x410]  }
0x1ed: {  	v12 =	vld [tilespmem:s18+$0xFFFFFF20];
	v8 =	vmul.f32 v8, v9  }
0x1ee: {  	v9 =	vld [tilespmem:s22+$0x20];
	[tilespmem:s30+$0xFFFFFF80] =	vst v5  }
0x1ef: {  	v5 =	vmul.f32 v6, v11;
	v6 =	vld [tilespmem:s19+$0xFFFFFF90];
	[tilespmem:s7+$0xFFFFFFD0] =	vst v8  }
0x1f0: {  	v8 =	vld [tilespmem:s16+$0x410]  }
0x1f1: {  	[tilespmem:s15+$0x20] =	vst v5;
	v5 =	vmul.f32 v10, v7;
	v7 =	vld [tilespmem:s8+$0xFFFFFFE0]  }
0x1f2: {  	v10 =	vld [tilespmem:s18+$0x30]  }
0x1f3: {  	v9 =	vmul.f32 v9, v12;
	v11 =	vld [tilespmem:s14+$0x30];
	[tilespmem:s30+$0x90] =	vst v5  }
0x1f4: {  	v5 =	vld [tilespmem:s19+$0xA0]  }
0x1f5: {  	[tilespmem:s15+$0xFFFFFF20] =	vst v9;
	v6 =	vmul.f32 v8, v6;
	v8 =	vld [tilespmem:s9+$0x420]  }
0x1f6: {  	v9 =	vld [tilespmem:s18+$0xFFFFFF30]  }
0x1f7: {  	v12 =	vld [tilespmem:s22+$0x30];
	[tilespmem:s30+$0xFFFFFF90] =	vst v6  }
0x1f8: {  	v6 =	vmul.f32 v11, v10;
	v10 =	vld [tilespmem:s19+$0xFFFFFFA0]  }
0x1f9: {  	v11 =	vld [tilespmem:s16+$0x420]  }
0x1fa: {  	[tilespmem:s15+$0x30] =	vst v6;
	v5 =	vmul.f32 v8, v5;
	v6 =	vld [tilespmem:s12+$0x460]  }
0x1fb: {  	v8 =	vld [tilespmem:s18+$0x40]  }
0x1fc: {  	v9 =	vmul.f32 v12, v9;
	v12 =	vld [tilespmem:s14+$0x40];
	[tilespmem:s30+$0xA0] =	vst v5  }
0x1fd: {  	v5 =	vld [tilespmem:s19+$0xB0]  }
0x1fe: {  	[tilespmem:s15+$0xFFFFFF30] =	vst v9;
	v9 =	vmul.f32 v11, v10;
	v10 =	vld [tilespmem:s9+$0x430]  }
0x1ff: {  	v11 =	vld [tilespmem:s18+$0xFFFFFF40];
	v6 =	vmul.f32 v6, v7  }
0x200: {  	v7 =	vld [tilespmem:s22+$0x40];
	[tilespmem:s30+$0xFFFFFFA0] =	vst v9  }
0x201: {  	v8 =	vmul.f32 v12, v8;
	v9 =	vld [tilespmem:s19+$0xFFFFFFB0];
	[tilespmem:s7+$0xFFFFFFE0] =	vst v6  }
0x202: {  	v6 =	vld [tilespmem:s16+$0x430]  }
0x203: {  	[tilespmem:s15+$0x40] =	vst v8;
	v5 =	vmul.f32 v10, v5;
	v12 =	vld [tilespmem:s8+$0xFFFFFFF0];
	s8 =	smov.u32 s19;
	s19 =	smov.u32 s18  }
0x204: {  	v8 =	vld [tilespmem:s18+$0x50]  }
0x205: {  	v7 =	vmul.f32 v7, v11;
	v10 =	vld [tilespmem:s14+$0x50];
	[tilespmem:s30+$0xB0] =	vst v5  }
0x206: {  	v5 =	vld [tilespmem:s8+$0xC0]  }
0x207: {  	[tilespmem:s15+$0xFFFFFF40] =	vst v7;
	v6 =	vmul.f32 v6, v9;
	v7 =	vld [tilespmem:s9+$0x440]  }
0x208: {  	v11 =	vld [tilespmem:s18+$0xFFFFFF50]  }
0x209: {  	v13 =	vld [tilespmem:s22+$0x50];
	[tilespmem:s30+$0xFFFFFFB0] =	vst v6  }
0x20a: {  	v6 =	vmul.f32 v10, v8;
	v8 =	vld [tilespmem:s8+$0xFFFFFFC0]  }
0x20b: {  	v10 =	vld [tilespmem:s16+$0x440]  }
0x20c: {  	[tilespmem:s15+$0x50] =	vst v6;
	v5 =	vmul.f32 v7, v5;
	v14 =	vld [tilespmem:s12+$0x470];
	s12 =	smov.u32 s16;
	s16 =	smov.u32 s22  }
.Ltmp6:
0x20d: {  	v9 =	vld [tilespmem:s18+$0x60];
	(pc) =	sbr.rel @p2 .LBB2_11-.Ltmp6, $4  }
0x20e: {  	v7 =	vmul.f32 v13, v11;
	v11 =	vld [tilespmem:s14+$0x60];
	[tilespmem:s30+$0xC0] =	vst v5  }
0x20f: {  	v6 =	vld [tilespmem:s8+$0xD0]  }
0x210: {  	[tilespmem:s15+$0xFFFFFF50] =	vst v7;
	v8 =	vmul.f32 v10, v8;
	v7 =	vld [tilespmem:s9+$0x450]  }
0x211: {  	s21 =	sadd.s32 $0x200, s21;
	v10 =	vld [tilespmem:s18+$0xFFFFFF60];
	v5 =	vmul.f32 v14, v12  }
0x212: {  	v12 =	vld [tilespmem:s16+$0x60];
	_ =	sdelay $0x2  }
0x213: {  	v9 =	vmul.f32 v11, v9;
	_ =	sdelay $0x1  }
0x214: {  	[tilespmem:s15+$0x60] =	vst v9;
	v32 =	vmul.f32 v12, v10  }
0x215: {  	v33 =	vld [tilespmem:s19+$0x70]  }
0x216: {  	v34 =	vld [tilespmem:s14+$0x70];
	[tilespmem:s15+$0xFFFFFF60] =	vst v32  }
0x217: {  	v9 =	vld [tilespmem:s19+$0xFFFFFF70]  }
0x218: {  	v35 =	vld [tilespmem:s16+$0x70];
	_ =	sdelay $0x2  }
0x219: {  	v10 =	vmul.f32 v34, v33;
	_ =	sdelay $0x1  }
0x21a: {  	[tilespmem:s15+$0x70] =	vst v10;
	v9 =	vmul.f32 v35, v9  }
0x21b: {  	v10 =	vld [tilespmem:s19+$0x80]  }
0x21c: {  	v36 =	vld [tilespmem:s14+$0x400];
	[tilespmem:s15+$0xFFFFFF70] =	vst v9  }
0x21d: {  	v9 =	vld [tilespmem:s19+$0xFFFFFF80]  }
0x21e: {  	v37 =	vld [tilespmem:s16+$0x400];
	_ =	sdelay $0x2  }
0x21f: {  	v10 =	vmul.f32 v36, v10;
	_ =	sdelay $0x1  }
0x220: {  	[tilespmem:s15+$0x80] =	vst v10;
	v9 =	vmul.f32 v37, v9  }
0x221: {  	v10 =	vld [tilespmem:s19+$0x90]  }
0x222: {  	v38 =	vld [tilespmem:s14+$0x410];
	[tilespmem:s15+$0xFFFFFF80] =	vst v9  }
0x223: {  	v9 =	vld [tilespmem:s19+$0xFFFFFF90]  }
0x224: {  	v39 =	vld [tilespmem:s16+$0x410];
	_ =	sdelay $0x2  }
0x225: {  	v10 =	vmul.f32 v38, v10;
	_ =	sdelay $0x1  }
0x226: {  	[tilespmem:s15+$0x90] =	vst v10;
	v9 =	vmul.f32 v39, v9  }
0x227: {  	v10 =	vld [tilespmem:s19+$0xA0]  }
0x228: {  	v40 =	vld [tilespmem:s14+$0x420];
	[tilespmem:s15+$0xFFFFFF90] =	vst v9  }
0x229: {  	v9 =	vld [tilespmem:s19+$0xFFFFFFA0]  }
0x22a: {  	v41 =	vld [tilespmem:s16+$0x420];
	_ =	sdelay $0x2  }
0x22b: {  	v10 =	vmul.f32 v40, v10;
	_ =	sdelay $0x1  }
0x22c: {  	[tilespmem:s15+$0xA0] =	vst v10;
	v9 =	vmul.f32 v41, v9  }
0x22d: {  	v10 =	vld [tilespmem:s19+$0xB0]  }
0x22e: {  	v42 =	vld [tilespmem:s14+$0x430];
	[tilespmem:s15+$0xFFFFFFA0] =	vst v9  }
0x22f: {  	v9 =	vld [tilespmem:s19+$0xFFFFFFB0]  }
0x230: {  	v43 =	vld [tilespmem:s16+$0x430];
	_ =	sdelay $0x2  }
0x231: {  	v10 =	vmul.f32 v42, v10;
	_ =	sdelay $0x1  }
0x232: {  	[tilespmem:s15+$0xB0] =	vst v10;
	v9 =	vmul.f32 v43, v9  }
0x233: {  	v10 =	vld [tilespmem:s19+$0xC0]  }
0x234: {  	v44 =	vld [tilespmem:s14+$0x440];
	[tilespmem:s15+$0xFFFFFFB0] =	vst v9  }
0x235: {  	v9 =	vld [tilespmem:s19+$0xFFFFFFC0]  }
0x236: {  	v45 =	vld [tilespmem:s16+$0x440];
	_ =	sdelay $0x2  }
0x237: {  	[tilespmem:s30+$0xFFFFFFC0] =	vst v8;
	v46 =	vmul.f32 v44, v10  }
0x238: {  	v47 =	vld [tilespmem:s8+$0xFFFFFFD0]  }
0x239: {  	v48 =	vld [tilespmem:s12+$0x450];
	[tilespmem:s15+$0xC0] =	vst v46;
	v49 =	vmul.f32 v45, v9  }
0x23a: {  	v50 =	vld [tilespmem:s19+$0xD0]  }
0x23b: {  	v51 =	vld [tilespmem:s14+$0x450];
	[tilespmem:s15+$0xFFFFFFC0] =	vst v49  }
0x23c: {  	v6 =	vmul.f32 v7, v6;
	v7 =	vld [tilespmem:s19+$0xFFFFFFD0]  }
0x23d: {  	v8 =	vld [tilespmem:s16+$0x450]  }
0x23e: {  	[tilespmem:s30+$0xD0] =	vst v6;
	v6 =	vmul.f32 v48, v47  }
0x23f: {  	v52 =	vld [tilespmem:s8+$0xE0]  }
0x240: {  	v53 =	vld [tilespmem:s9+$0x460];
	[tilespmem:s30+$0xFFFFFFD0] =	vst v6;
	v6 =	vmul.f32 v51, v50  }
0x241: {  	v54 =	vld [tilespmem:s8+$0xFFFFFFE0]  }
0x242: {  	v55 =	vld [tilespmem:s12+$0x460];
	[tilespmem:s15+$0xD0] =	vst v6;
	v6 =	vmul.f32 v8, v7  }
0x243: {  	v56 =	vld [tilespmem:s14+$0x460]  }
0x244: {  	v7 =	vld [tilespmem:s19+$0xE0];
	[tilespmem:s15+$0xFFFFFFD0] =	vst v6  }
0x245: {  	v6 =	vmul.f32 v53, v52;
	v57 =	vld [tilespmem:s19+$0xFFFFFFE0]  }
0x246: {  	v58 =	vld [tilespmem:s16+$0x460]  }
0x247: {  	[tilespmem:s30+$0xE0] =	vst v6;
	v6 =	vmul.f32 v55, v54  }
0x248: {  	v59 =	vld [tilespmem:s8+$0xF0]  }
0x249: {  	v60 =	vld [tilespmem:s9+$0x470];
	[tilespmem:s30+$0xFFFFFFE0] =	vst v6;
	v6 =	vmul.f32 v56, v7  }
0x24a: {  	v7 =	vld [tilespmem:s8+$0xFFFFFFF0]  }
0x24b: {  	v61 =	vld [tilespmem:s12+$0x470];
	[tilespmem:s15+$0xE0] =	vst v6;
	v6 =	vmul.f32 v58, v57  }
0x24c: {  	v62 =	vld [tilespmem:s19+$0xF0]  }
0x24d: {  	v63 =	vld [tilespmem:s14+$0x470];
	[tilespmem:s15+$0xFFFFFFE0] =	vst v6  }
0x24e: {  	v6 =	vld [tilespmem:s19+$0xFFFFFFF0]  }
0x24f: {  	v13 =	vld [tilespmem:s16+$0x470];
	_ =	sdelay $0x1  }
0x250: {  	v9 =	vmul.f32 v60, v59  }
0x251: {  	[tilespmem:s7+$0xFFFFFFF0] =	vst v5;
	v5 =	vmul.f32 v61, v7  }
0x252: {  	p2 =	sne.s32 s0, s6;
	[tilespmem:s30+$0xF0] =	vst v9;
	v7 =	vmul.f32 v63, v62  }
.Ltmp7:
0x253: {  	[tilespmem:s30+$0xFFFFFFF0] =	vst v5;
	s30 =	sadd.s32 s10, s29;
	v5 =	vmul.f32 v13, v6;
	(pc) =	sbr.rel @p2 .LBB2_4-.Ltmp7, $4  }
0x254: {  	s7 =	sshrl.u32 s30, $0x3;
	[tilespmem:s15+$0xF0] =	vst v7  }
0x255: {  	s2 =	sadd.s32 $0x15880, s2;
	s7 =	sadd.s32 s5, s7;
	[tilespmem:s15+$0xFFFFFFF0] =	vst v5  }
0x256: {  	[hbm4b:s7+s3] =	stream.linear.scatter [tilespmem:s2], [sflag:$0x6], $0x4000, $0x38;
	[tilespmem:$0x1D880] =	vst v63  }
0x257: {  	p1 =	por !p1, !p1;
	s7 =	smov.u32 s0  }
0x258: {  	s2 =	simm.s32 $0x6  }
0x259: {  	_ =	swait.ge [sflag:s2], $0x4000  }
0x25a: {  	[sflag:s2] =	ssyncset.done $0x0  }
0x25b: {  	[sflag:s2] =	ssyncadd.s32 $0xFFFFC000  }
0x25c: {  	_ =	swait.ge [sflag:s2], $0x4000  }
0x25d: {  	s31 =	sadd.s32 $0x1, s31;
	s0 =	rddreg [dreg:$0x7]  }
0x25e: {  	p1 =	sne.s32 s31, s0  }
.Ltmp8:
0x25f: {  	_ = 	snop;
	(pc) =	sbr.rel @p1 .LBB2_1-.Ltmp8, $3  }
0x260: {  	_ =	sdelay $0x1  }
0x261: {  	[sflag:s2] =	ssyncset.done $0x0  }
0x262: {  	[sflag:s2] =	ssyncadd.s32 $0xFFFFC000  }
0x263: {  	_ =	sfence.sel $0x180000  }
0x264: {  	[bflag:$0x0] =	sbarrier.arrive $0xFFFF  }
0x265: {  	_ =	strace $0x9000004A  }
0x266: {  	s0 =	stileid.u32;
	[bflag:$0x2] =	sbarrier.arrive $0xFFFF  }
0x267: {  	p0 =	sne.s32 s0, $0x0;
	s0 =	rddreg [dreg:$0x3]  }
0x268: {  	s0 =	sadd.s32 @!p0 $0x100000, s0  }
0x269: {  	[sflag:s0] =	ssyncadd.tile.s32 @!p0 $0x1;
	_ =	shalt  }
.Lfunc_end2:
_tile_overlayer_lowered:
.L_overlay_start_2:
0x26a: {  	(tag) =	ssettag $0x2  }
0x26b: {  	s0 =	rddreg [dreg:$0x0];
	s2 =	stileid.u32  }
0x26c: {  	s1 =	rddreg [dreg:$0x1];
	p0 =	sne.s32 s2, $0x0  }
0x26d: {  	s3 =	rddreg [dreg:$0x2];
	[bflag:$0x3] =	sbarrier.arrive $0xFFFF;
	s2 =	simm.s32 @!p0 $0x1C07  }
0x26e: {  	[timem:s3], [sflag:s2] =	dma.local @!p0 [hbm:s0], s1  }
0x26f: {  	s0 =	simm.s32 @!p0 $0x7  }
0x270: {  	_ =	swait.ge @!p0 [sflag:s0], s1  }
0x271: {  	s1 =	ssub.s32 @!p0 $0x0, s1;
	[sflag:s0] =	ssyncset.done @!p0 $0x0  }
0x272: {  	[sflag:s0] =	ssyncadd.s32 @!p0 s1  }
0x273: {  	[bflag:$0x3] =	sbarrier.arrive $0xFFFF  }
0x274: {  	_ =	shalt  }

// kernel: sparse-core-data-format-call.cloned.1.call-start
scs
called_computation_lowered:
.L_overlay_start_0:
0x0: {  	s2 =	sld [smem:$0x3FD9]  }
0x1: {  	s3 =	sld [smem:$0x3FFE];
	_ =	sdelay $0x1  }
0x2: {  	s1 =	srdreg.scid  }
0x3: {  	s0 =	sand.u32 $0x1, s1  }
0x4: {  	s19 =	sshll.u32 s0, $0xA;
	s2 =	sadd.s32 s3, s2  }
0x5: {  	s2 =	sadd.s32 s2, s19  }
0x6: {  	[smem:$0x3FC5] =	sst s2  }
0x7: {  	_ = 	snop  }
0x8: {  	s2 =	sld [smem:$0x3FC9]  }
0x9: {  	s20 =	sld [smem:$0x3FD0];
	(tm) =	ssettm $0x1  }
0xa: {  	s4 =	sld [smem:$0x3FFB];
	_ =	sdelay $0x3  }
0xb: {  	_ =	strace s4  }
0xc: {  	s4 =	sld [smem:$0x3FFC];
	_ =	sdelay $0x3  }
0xd: {  	_ =	strace s4  }
0xe: {  	s4 =	sld [smem:$0x3FFD];
	_ =	sdelay $0x3  }
0xf: {  	_ =	strace s4  }
0x10: {  	_ =	strace $0x8FFFFFFF  }
0x11: {  	s21 =	sld [smem:$0x3FDB];
	_ =	sdelay $0x1  }
0x12: {  	s5 =	simm.s32 $_scs_section_size  }
0x13: {  	s6 =	simm.s32 $_size__tile_overlayer_lowered;
	s7 =	simm.s32 $_tile_overlayer_lowered  }
0x14: {  	s24 =	simm.s32 $0x1BFF;
	s23 =	sshll.u32 s7, $0x1;
	s4 =	sadd.s32 s5, s21  }
0x15: {  	s8 =	simm.s32 $0x0;
	s22 =	sshll.u32 s6, $0x1;
	s6 =	sadd.s32 s23, s4  }
0x16: {  	[timem:s8], [sflag:s24] =	dma.local [hbm:s6], s22  }
0x17: {  	_ =	swait.ge [sflag:s24], s22  }
0x18: {  	s5 =	ssub.s32 $0x0, s22;
	[sflag:s24] =	ssyncset.done $0x0  }
0x19: {  	[sflag:s24] =	ssyncadd.s32 s5;
	_ =	sdelay $0x1  }
0x1a: {  	s25 =	simm.s32 $0x1B8B  }
0x1b: {  	_ =	swait.ge [sflag:s25], $0x1  }
0x1c: {  	[sflag:s25] =	ssyncset.done $0x0  }
0x1d: {  	s26 =	simm.s32 $0x1B8E;
	[sflag:s25] =	ssyncadd.s32 $0xFFFFFFFF  }
0x1e: {  	s27 =	simm.s32 $execute0_lowered;
	[smem:$0x3FD2] =	sst s26  }
0x1f: {  	s5 =	sshll.u32 s27, $0x1;
	_ =	strace $0x80000046;
	[dreg:$0x1] =	wrdreg $0xFFFFFFFF  }
0x20: {  	s28 =	simm.s32 $_size_execute0_lowered;
	s4 =	sadd.s32 s4, s5;
	[dreg:$0x0] =	wrdreg $0x0  }
0x21: {  	s5 =	sshll.u32 s28, $0x1;
	[dreg:$0x2] =	wrdreg s4  }
0x22: {  	[dreg:$0x3] =	wrdreg s5  }
0x23: {  	[dreg:$0x4] =	wrdreg $0xC0  }
0x24: {  	_ =	task [dreg:s8], $0x5FFFF  }
0x25: {  	[dreg:$0x1] =	wrdreg $0xFFFFFFFF  }
0x26: {  	[dreg:$0x0] =	wrdreg $0x60  }
0x27: {  	[dreg:$0x2] =	wrdreg s2  }
0x28: {  	[dreg:$0x3] =	wrdreg s20  }
0x29: {  	[dreg:$0x4] =	wrdreg $0x9  }
0x2a: {  	_ =	task.clear_ibuf [dreg:s8], $0x5FFFF;
	_ =	strace $0x90000046  }
0x2b: {  	s29 =	simm.s32 $0x9;
	_ =	strace $0x80000048  }
0x2c: {  	_ =	swait.ge [sflag:s29], $0x1  }
0x2d: {  	[sflag:s29] =	ssyncadd.s32 $0xFFFFFFFF  }
0x2e: {  	_ =	strace $0x90000048  }
0x2f: {  	_ =	sfence  }
0x30: {  	s30 =	sld [smem:$0x0];
	_ =	sdelay $0x2  }
0x31: {  	s31 =	sshll.u32 s1, $0xD;
	s1 =	sshrl.u32 s1, $0x2  }
0x32: {  	s3 =	sand.u32 $0x4000, s31;
	s1 =	sadd.s32 s1, s30  }
0x33: {  	s0 =	sor.u32 s3, s0;
	s1 =	sshll.u32 s1, $0x11  }
0x34: {  	s0 =	sor.u32 s1, s0  }
0x35: {  	s0 =	sadd.s32 $0x8F2B, s0  }
0x36: {  	[sflag:s0] =	ssyncadd.remote.s32 $0x1  }
0x37: {  	_ =	sfence.sel $0xFFFF  }
0x38: {  	[dreg:$0x0] =	wrdreg $0xFFFFFFFF;
	(pc) =	sbr.abs _section_cstart, $3  }
0x39: {  	[dreg:$0x1] =	wrdreg $0xFFFFFFFF  }
0x3a: {  	_ =	task.clear_ibuf [dreg:s8], $0x2FFFF;
	_ =	strace $0x9FFFFFFF  }
0x3b: {  	(tm) =	ssettm $0x7FFFFFFF  }
tec
execute0_lowered:
.L_overlay_start_1:
0x0: {  	(tag) =	ssettag $0x1  }
0x1: {  	s0 =	srdreg.scid  }
0x2: {  	s1 =	sshll.u32 s0, $0x4  }
0x3: {  	s2 =	rddreg [dreg:$0x0];
	s0 =	stileid.u32;
	s1 =	sand.u32 $0x10, s1  }
0x4: {  	s4 =	rddreg [dreg:$0x1];
	s1 =	sor.u32 s0, s1  }
0x5: {  	s7 =	simm.s32 $0x1;
	s8 =	simm.s32 $0x2;
	s3 =	sshll.u32 s1, $0x3  }
0x6: {  	s9 =	simm.s32 $0x0;
	s12 =	simm.s32 $0x0;
	s6 =	ssub.s32 $0x61A8, s3  }
.Ltmp0:
0x7: {  	s11 =	simm.s32 $0x0;
	s5 =	sand.u32 $0xF8, s6;
	(pc) =	sbr.rel .LBB1_1-.Ltmp0, $4  }
0x8: {  	s1 =	rddreg [dreg:$0x2];
	_ =	strace $0x80000047;
	p0 =	sne.s32 s5, $0x0  }
0x9: {  	s6 =	sshrl.u32 s6, $0x8;
	s5 =	simm.s32 $0x1;
	s7 =	simm.s32 @!p0 $0x0  }
0xa: {  	s10 =	smov.u32 s3;
	[sflag:s5] =	ssyncpa.u1 $0x0;
	s6 =	sadd.s32 s7, s6  }
0xb: {  	[sflag:s8] =	ssyncpa.u1 $0x0;
	s8 =	simm.s32 $0x0;
	s7 =	sadd.s32 $0x1, s6  }
.LBB1_9:
0xc: {  	s14 =	sadd.s32 $0x100, s10  }
0xd: {  	p1 =	sgt.s32 s14, $0x61A7  }
0xe: {  	s14 =	smov.u32 @p1 s3;
	p1 =	sne.s32 s11, s7  }
.Ltmp1:
0xf: {  	p0 =	slt.u32 s11, $0x2;
	(pc) =	sbr.rel @!p1 .LBB1_10-.Ltmp1, $4  }
0x10: {  	s13 =	simm.s32 @!p0 $0x2  }
0x11: {  	s15 =	sadd.s32 $0x1, s11;
	_ =	swait.ge @!p0 [sflag:s13], $0x4000  }
0x12: {  	s12 =	smov.u32 s10;
	s9 =	sadd.s32 $0x4000, s9;
	[sflag:s13] =	ssyncset.done @!p0 $0x0  }
0x13: {  	s11 =	smov.u32 s15;
	s10 =	smov.u32 s14;
	[sflag:s13] =	ssyncadd.s32 @!p0 $0xFFFFC000  }
.LBB1_1:
0x14: {  	p0 =	sge.u32 s11, s6  }
0x15: {  	s13 =	sxor.u32 @!p0 $0xFFFFFFFF, s11  }
0x16: {  	s31 =	sadd.s32 $0xFFFFFFFF, s11;
	s14 =	sshll.u32 @!p0 s10, $0x8;
	s13 =	sshll.u32 @!p0 s13, $0xE  }
0x17: {  	s15 =	simm.s32 @!p0 $0x0;
	s14 =	sadd.s32 @!p0 s2, s14;
	s13 =	sand.u32 @!p0 $0x4000, s13  }
0x18: {  	[tilespmem:s13], [sflag:$0x1] =	stream.linear.gather @!p0 [hbm4b:s14+s15], $0x4000, $0x38;
	[tilespmem:$0x10000] =	vst v63  }
0x19: {  	p0 =	sge.u32 s31, s6  }
.Ltmp2:
0x1a: {  	_ = 	snop;
	(pc) =	sbr.rel @p0 .LBB1_9-.Ltmp2, $1  }
0x1b: {  	_ =	sdelay $0x3  }
0x1c: {  	s13 =	sshll.u32 s9, $0x2;
	_ =	swait.ge [sflag:s5], $0x4000;
	s14 =	sshll.u32 s11, $0xE  }
0x1d: {  	s16 =	simm.s32 $0x0;
	s17 =	simm.s32 $0x0;
	s15 =	sand.u32 $0x10000, s13  }
0x1e: {  	[sflag:s5] =	ssyncset.done $0x0;
	s31 =	sand.u32 $0x4000, s14;
	s14 =	sshrl.u32 s15, $0x2  }
0x1f: {  	[sflag:s5] =	ssyncadd.s32 $0xFFFFC000;
	s13 =	sor.u32 $0x8000, s31;
	s15 =	sor.u32 $0x8000, s14  }
.LBB1_3:
0x20: {  	s18 =	sshra.s32 s16, $0x2  }
0x21: {  	v0 =	vmov s18;
	_ =	sdelay $0x3  }
0x22: {  	p1 =	por $0x1, $0x1;
	s18 =	simm.s32 $0x0  }
.LBB1_4:
0x23: {  	_ = 	snop  }
0x24: {  	s19 =	sshll.u32 s18, $0xA  }
0x25: {  	s19 =	sand.u32 $0x3FFFFC00, s19  }
0x26: {  	s19 =	sadd.s32 s19, s14  }
0x27: {  	v5 =	vld.idx.msk [tilespmem:v0+s19+$0x70 ss:$0x1], $0xffff  }
0x28: {  	v6 =	vld.idx.msk [tilespmem:v0+s19+$0x10 ss:$0x1], $0xffff  }
0x29: {  	v7 =	vld.idx.msk [tilespmem:v0+s19+$0x20 ss:$0x1], $0xffff  }
0x2a: {  	s31 =	sshll.u32 s18, $0x7;
	v1 =	vld.idx.msk [tilespmem:v0+s19+$0x30 ss:$0x1], $0xffff  }
0x2b: {  	s18 =	sand.u32 $0x3FFFFF80, s31;
	v2 =	vld.idx.msk [tilespmem:v0+s19+$0x40 ss:$0x1], $0xffff  }
0x2c: {  	s18 =	sadd.s32 s18, s15;
	v3 =	vld.idx.msk [tilespmem:v0+s19+$0x50 ss:$0x1], $0xffff  }
0x2d: {  	v4 =	vld.idx.msk [tilespmem:v0+s19+$0x60 ss:$0x1], $0xffff;
	[tilespmem:v0+s18+$0x70 ss:$0x1] =	vst.idx.msk $0xffff, v5  }
0x2e: {  	v5 =	vld.idx.msk [tilespmem:v0+s19+$0x0 ss:$0x1], $0xffff;
	[tilespmem:v0+s18+$0x10 ss:$0x1] =	vst.idx.msk $0xffff, v6;
	s19 =	sadd.s32 $0x80, s19  }
0x2f: {  	p0 =	por p1, p1;
	s20 =	simm.s32 $0x6;
	[tilespmem:v0+s18+$0x20 ss:$0x1] =	vst.idx.msk $0xffff, v7;
	v6 =	vld.idx.msk [tilespmem:v0+s19+$0x70 ss:$0x1], $0xffff  }
.LBB1_5:
0x30: {  	p1 =	sne.s32 s20, $0x1;
	v7 =	vld.idx.msk [tilespmem:v0+s19+$0x10 ss:$0x1], $0xffff;
	[tilespmem:v0+s18+$0x30 ss:$0x1] =	vst.idx.msk $0xffff, v1  }
0x31: {  	v8 =	vld.idx.msk [tilespmem:v0+s19+$0x20 ss:$0x1], $0xffff;
	[tilespmem:v0+s18+$0x40 ss:$0x1] =	vst.idx.msk $0xffff, v2  }
0x32: {  	v1 =	vld.idx.msk [tilespmem:v0+s19+$0x30 ss:$0x1], $0xffff;
	[tilespmem:v0+s18+$0x50 ss:$0x1] =	vst.idx.msk $0xffff, v3  }
.Ltmp3:
0x33: {  	v2 =	vld.idx.msk [tilespmem:v0+s19+$0x40 ss:$0x1], $0xffff;
	[tilespmem:v0+s18+$0x60 ss:$0x1] =	vst.idx.msk $0xffff, v4;
	(pc) =	sbr.rel @p1 .LBB1_5-.Ltmp3, $4  }
0x34: {  	v3 =	vld.idx.msk [tilespmem:v0+s19+$0x50 ss:$0x1], $0xffff;
	[tilespmem:v0+s18+$0x0 ss:$0x1] =	vst.idx.msk $0xffff, v5;
	s18 =	sadd.s32 $0x100, s18  }
0x35: {  	v4 =	vld.idx.msk [tilespmem:v0+s19+$0x60 ss:$0x1], $0xffff;
	[tilespmem:v0+s18+$0x70 ss:$0x1] =	vst.idx.msk $0xffff, v6  }
0x36: {  	v5 =	vld.idx.msk [tilespmem:v0+s19+$0x0 ss:$0x1], $0xffff;
	[tilespmem:v0+s18+$0x10 ss:$0x1] =	vst.idx.msk $0xffff, v7;
	s19 =	sadd.s32 $0x80, s19  }
0x37: {  	s20 =	sadd.s32 $0xFFFFFFFF, s20;
	v6 =	vld.idx.msk [tilespmem:v0+s19+$0x70 ss:$0x1], $0xffff;
	[tilespmem:v0+s18+$0x20 ss:$0x1] =	vst.idx.msk $0xffff, v8  }
0x38: {  	_ =	sdelay $0x3  }
0x39: {  	[tilespmem:v0+s18+$0x30 ss:$0x1] =	vst.idx.msk $0xffff, v1  }
0x3a: {  	v1 =	vld.idx.msk [tilespmem:v0+s19+$0x10 ss:$0x1], $0xffff;
	[tilespmem:v0+s18+$0x40 ss:$0x1] =	vst.idx.msk $0xffff, v2  }
0x3b: {  	v2 =	vld.idx.msk [tilespmem:v0+s19+$0x20 ss:$0x1], $0xffff;
	[tilespmem:v0+s18+$0x50 ss:$0x1] =	vst.idx.msk $0xffff, v3  }
0x3c: {  	v61 =	vld.idx.msk [tilespmem:v0+s19+$0x40 ss:$0x1], $0xffff;
	[tilespmem:v0+s18+$0x60 ss:$0x1] =	vst.idx.msk $0xffff, v4  }
0x3d: {  	s31 =	sadd.s32 $0x100, s18;
	v62 =	vld.idx.msk [tilespmem:v0+s19+$0x50 ss:$0x1], $0xffff;
	[tilespmem:v0+s18+$0x0 ss:$0x1] =	vst.idx.msk $0xffff, v5  }
0x3e: {  	v63 =	vld.idx.msk [tilespmem:v0+s19+$0x60 ss:$0x1], $0xffff;
	[tilespmem:v0+s31+$0x70 ss:$0x1] =	vst.idx.msk $0xffff, v6  }
0x3f: {  	v3 =	vld.idx.msk [tilespmem:v0+s19+$0x30 ss:$0x1], $0xffff;
	[tilespmem:v0+s31+$0x10 ss:$0x1] =	vst.idx.msk $0xffff, v1  }
0x40: {  	v1 =	vld.idx.msk [tilespmem:v0+s19+$0x0 ss:$0x1], $0xffff;
	[tilespmem:v0+s31+$0x20 ss:$0x1] =	vst.idx.msk $0xffff, v2  }
.Ltmp4:
0x41: {  	[tilespmem:v0+s31+$0x40 ss:$0x1] =	vst.idx.msk $0xffff, v61;
	(pc) =	sbr.rel @p0 .LBB1_4-.Ltmp4, $4  }
0x42: {  	[tilespmem:v0+s31+$0x50 ss:$0x1] =	vst.idx.msk $0xffff, v62  }
0x43: {  	[tilespmem:v0+s31+$0x60 ss:$0x1] =	vst.idx.msk $0xffff, v63  }
0x44: {  	[tilespmem:v0+s31+$0x30 ss:$0x1] =	vst.idx.msk $0xffff, v3  }
0x45: {  	p1 =	por $0x0, $0x0;
	s18 =	simm.s32 $0x1;
	[tilespmem:v0+s31+$0x0 ss:$0x1] =	vst.idx.msk $0xffff, v1  }
0x46: {  	s17 =	sadd.s32 $0x1, s17  }
0x47: {  	p0 =	sne.s32 s17, $0x8  }
.Ltmp5:
0x48: {  	_ = 	snop;
	(pc) =	sbr.rel @p0 .LBB1_3-.Ltmp5, $2  }
0x49: {  	_ =	sdelay $0x2  }
0x4a: {  	s16 =	sadd.s32 $0x2000, s16  }
.Ltmp6:
0x4b: {  	(pc) =	sbr.rel .LBB1_9-.Ltmp6, $4  }
0x4c: {  	_ = 	snop  }
0x4d: {  	s12 =	sshll.u32 s12, $0x8  }
0x4e: {  	s12 =	sadd.s32 s4, s12  }
0x4f: {  	[hbm4b:s12+s8] =	stream.linear.scatter [tilespmem:s13], [sflag:$0x2], $0x4000, $0x38;
	[tilespmem:$0x10000] =	vst v63  }
.LBB1_10:
0x50: {  	_ =	sfence.sel $0x180000  }
0x51: {  	s2 =	simm.s32 $0x1;
	[bflag:$0x0] =	sbarrier.arrive $0xFFFF  }
0x52: {  	s31 =	simm.s32 $0x2;
	[sflag:s2] =	ssyncpa.u1 $0x1  }
0x53: {  	[sflag:s31] =	ssyncpa.u1 $0x1  }
0x54: {  	p0 =	sne.s32 s0, $0x0;
	_ =	strace $0x90000047  }
0x55: {  	s0 =	sadd.s32 @!p0 $0x100000, s1;
	[bflag:$0x2] =	sbarrier.arrive $0xFFFF  }
0x56: {  	[sflag:s0] =	ssyncadd.tile.s32 @!p0 $0x1;
	_ =	shalt  }
.Lfunc_end1:
_tile_overlayer_lowered:
.L_overlay_start_2:
0x57: {  	(tag) =	ssettag $0x2  }
0x58: {  	s0 =	rddreg [dreg:$0x0];
	s2 =	stileid.u32  }
0x59: {  	s1 =	rddreg [dreg:$0x1];
	p0 =	sne.s32 s2, $0x0  }
0x5a: {  	s3 =	rddreg [dreg:$0x2];
	[bflag:$0x3] =	sbarrier.arrive $0xFFFF;
	s2 =	simm.s32 @!p0 $0x1C01  }
0x5b: {  	[timem:s3], [sflag:s2] =	dma.local @!p0 [hbm:s0], s1  }
0x5c: {  	s0 =	simm.s32 @!p0 $0x1  }
0x5d: {  	_ =	swait.ge @!p0 [sflag:s0], s1  }
0x5e: {  	s1 =	ssub.s32 @!p0 $0x0, s1;
	[sflag:s0] =	ssyncset.done @!p0 $0x0  }
0x5f: {  	[sflag:s0] =	ssyncadd.s32 @!p0 s1  }
0x60: {  	[bflag:$0x3] =	sbarrier.arrive $0xFFFF  }
0x61: {  	_ =	shalt  }

</sc_bundles>
